<compile_context>
chip_gen: v7x
topology: tpu7x:2x2x1
jax: 0.10.2.dev20260603
libtpu: 0.0.44.dev20260713+nightly
codegen_flags: <defaults>
</compile_context>

<pallas_src>
import jax
import jax.numpy as jnp
from jax import lax
from jax.experimental import pallas as pl
from jax.experimental.pallas import tpu as pltpu
from jax.experimental.pallas import tpu_sc as plsc

_B = 64
_T = 1024
_N = _B * _T
_NC = 2
_NS = 16
_NW = _NC * _NS
_CHUNK = _N // _NW
_GB = 128
_NG = _CHUNK // _GB
_D = 128
_NB = 4
_NGRP = _NG // _NB


def _sc_body(h_hbm, w_hbm, tab_hbm, out_hbm, h_v, w_v, idx_v, rows, *sems):
    gsem = sems[:_NB]
    wsem = sems[_NB:]
    wid = lax.axis_index("s") * _NC + lax.axis_index("c")
    base = wid * _CHUNK
    pltpu.sync_copy(h_hbm.at[pl.ds(base, _CHUNK)], h_v)
    pltpu.sync_copy(w_hbm.at[pl.ds(base, _CHUNK)], w_v)

    def idx_body(j, carry):
        for k in range(_GB // 16):
            t0 = j * _GB + k * 16
            idx_v[j, pl.ds(k * 16, 16)] = h_v[pl.ds(t0, 16)] * 32 + w_v[pl.ds(t0, 16)]
        return carry

    lax.fori_loop(0, _NG, idx_body, 0)

    def fire_gather(j, b):
        pltpu.async_copy(tab_hbm.at[idx_v.at[j]], rows.at[b], gsem[b])

    for b in range(_NB):
        fire_gather(b, b)

    def group_body(g, carry):
        for b in range(_NB):
            j = g * _NB + b
            dst = out_hbm.at[pl.ds(base + j * _GB, _GB)]
            pltpu.make_async_copy(tab_hbm.at[idx_v.at[j]], rows.at[b],
                                  gsem[b]).wait()
            cw = pltpu.async_copy(rows.at[b], dst, wsem[b])

            @pl.when(g < _NGRP - 1)
            def _():
                cw.wait()
                fire_gather(j + _NB, b)

        return carry

    lax.fori_loop(0, _NGRP, group_body, 0)

    for b in range(_NB):
        j = (_NGRP - 1) * _NB + b
        pltpu.make_async_copy(rows.at[b],
                              out_hbm.at[pl.ds(base + j * _GB, _GB)],
                              wsem[b]).wait()


def _tc_body(x_ref, sin_ref, cos_ref):
    xt = jnp.swapaxes(x_ref[0], 0, 1)
    sin_ref[0] = xt[:64, :]
    cos_ref[0] = xt[64:, :]


@jax.jit
def _rope_sc(grid, cos_h_all, sin_h_all, cos_w_all, sin_w_all):
    h_n, f = cos_h_all.shape
    w_n = cos_w_all.shape[0]
    ch = jnp.broadcast_to(cos_h_all[:, None, :], (h_n, w_n, f))
    cw = jnp.broadcast_to(cos_w_all[None, :, :], (h_n, w_n, f))
    sh = jnp.broadcast_to(sin_h_all[:, None, :], (h_n, w_n, f))
    sw = jnp.broadcast_to(sin_w_all[None, :, :], (h_n, w_n, f))
    tab = jnp.concatenate([sh, sw, sh, sw, ch, cw, ch, cw],
                          axis=-1).reshape(h_n * w_n, _D)
    h_flat = grid[..., 0].reshape(-1)
    w_flat = grid[..., 1].reshape(-1)

    mesh = plsc.VectorSubcoreMesh(core_axis_name="c", subcore_axis_name="s")
    ker = pl.kernel(
        _sc_body,
        out_type=jax.ShapeDtypeStruct((_N, _D), jnp.float32),
        mesh=mesh,
        scratch_types=[
            pltpu.VMEM((_CHUNK,), jnp.int32),
            pltpu.VMEM((_CHUNK,), jnp.int32),
            pltpu.VMEM((_NG, _GB), jnp.int32),
            pltpu.VMEM((_NB, _GB, _D), jnp.float32),
        ] + [pltpu.SemaphoreType.DMA] * (2 * _NB),
    )
    comb = ker(h_flat, w_flat, tab)

    sin_t, cos_t = pl.pallas_call(
        _tc_body,
        grid=(_B,),
        in_specs=[pl.BlockSpec((1, _T, _D), lambda b: (b, 0, 0))],
        out_specs=[pl.BlockSpec((1, 64, _T), lambda b: (b, 0, 0)),
                   pl.BlockSpec((1, 64, _T), lambda b: (b, 0, 0))],
        out_shape=[jax.ShapeDtypeStruct((_B, 64, _T), jnp.float32),
                   jax.ShapeDtypeStruct((_B, 64, _T), jnp.float32)],
    )(comb.reshape(_B, _T, _D))

    return jnp.swapaxes(sin_t, 1, 2), jnp.swapaxes(cos_t, 1, 2)


def kernel(grid, cos_h_all, sin_h_all, cos_w_all, sin_w_all):
    return _rope_sc(grid, cos_h_all, sin_h_all, cos_w_all, sin_w_all)

# --- scband reference (transcript-rebuilt; emitter-appended) ---
"""Pipeline reference for scband-rope-position-embedding-82918638616595 (READ-ONLY COPY).

The authoritative reference and input builder live on the scoring server;
editing this copy changes nothing except your own understanding.
"""

import jax, jax.numpy as jnp
import numpy as np

B = 64
T = 1024
D_HEAD = 64
AXIS_DIM = D_HEAD // 2  # 32
THETA = 10000.0
NPH = 32
NPW = 32


def precompute_freqs_cis(axis_dim, end, theta):
    freqs = 1.0 / theta ** (jnp.arange(0.0, axis_dim, 2)[jnp.newaxis, :] / axis_dim)
    t = jnp.arange(float(end))
    freqs_outer = jnp.outer(t, freqs)
    return jnp.cos(freqs_outer).astype(jnp.float32), jnp.sin(freqs_outer).astype(jnp.float32)


def setup_inputs(seed: int = 0) -> dict:
    key = jax.random.key(seed)
    grid = jax.random.randint(key, (B, T, 2), 0, NPH).astype(jnp.int32)
    cos_h_all, sin_h_all = precompute_freqs_cis(AXIS_DIM, NPH, THETA)
    cos_w_all, sin_w_all = precompute_freqs_cis(AXIS_DIM, NPW, THETA)
    return {
        "grid": grid,
        "cos_h_all": cos_h_all,
        "sin_h_all": sin_h_all,
        "cos_w_all": cos_w_all,
        "sin_w_all": sin_w_all,
    }


def reference(grid, cos_h_all, sin_h_all, cos_w_all, sin_w_all):
    h_idx = grid[..., 0]
    w_idx = grid[..., 1]
    cos_h = jnp.take(cos_h_all, h_idx, axis=0)
    sin_h = jnp.take(sin_h_all, h_idx, axis=0)
    cos_w = jnp.take(cos_w_all, w_idx, axis=0)
    sin_w = jnp.take(sin_w_all, w_idx, axis=0)
    sin_hw = jnp.concatenate([sin_h, sin_w], axis=-1)
    cos_hw = jnp.concatenate([cos_h, cos_w], axis=-1)
    sin = jnp.tile(sin_hw, 2)
    cos = jnp.tile(cos_hw, 2)
    return (sin, cos)

if __name__ == "__main__":
    import jax
    _d = setup_inputs()
    print(jax.jit(kernel)(*tuple(_d.values())))

</pallas_src>

<mosaic_0001>
#map = affine_map<(d0, d1) -> (0)>
#map1 = affine_map<(d0, d1) -> (0, 0)>
module attributes {stable_mosaic.version = 14 : i64} {
  func.func @_sc_body(%arg0: i32, %arg1: i32, %arg2: memref<65536xi32, #tpu.memory_space<hbm>>, %arg3: memref<65536xi32, #tpu.memory_space<hbm>>, %arg4: memref<1024x128xf32, #tpu.memory_space<hbm>>, %arg5: memref<65536x128xf32, #tpu.memory_space<hbm>>, %arg6: memref<2048xi32, #tpu.memory_space<vmem>>, %arg7: memref<2048xi32, #tpu.memory_space<vmem>>, %arg8: memref<16x128xi32, #tpu.memory_space<vmem>>, %arg9: memref<4x128x128xf32, #tpu.memory_space<vmem>>, %arg10: memref<!tpu.dma_semaphore, #tpu.memory_space<semaphore_mem>>, %arg11: memref<!tpu.dma_semaphore, #tpu.memory_space<semaphore_mem>>, %arg12: memref<!tpu.dma_semaphore, #tpu.memory_space<semaphore_mem>>, %arg13: memref<!tpu.dma_semaphore, #tpu.memory_space<semaphore_mem>>, %arg14: memref<!tpu.dma_semaphore, #tpu.memory_space<semaphore_mem>>, %arg15: memref<!tpu.dma_semaphore, #tpu.memory_space<semaphore_mem>>, %arg16: memref<!tpu.dma_semaphore, #tpu.memory_space<semaphore_mem>>, %arg17: memref<!tpu.dma_semaphore, #tpu.memory_space<semaphore_mem>>) attributes {dimension_semantics = [#tpu.dimension_semantics<core_parallel>, #tpu.dimension_semantics<subcore_parallel>], iteration_bounds = array<i64: 2, 16>, scalar_prefetch = 0 : i64, scratch_operands = 12 : i64, tpu.core_type = #tpu.core_type<sc_vector_subcore>, window_params = [{transform_indices = #map}, {transform_indices = #map}, {transform_indices = #map1}, {transform_indices = #map1}]} {
    %mul3A = arith.constant 2 : i32
    %mul3A_0 = arith.muli %arg1, %mul3A : i32
    %add3A = arith.addi %mul3A_0, %arg0 : i32
    %mul3A_1 = arith.constant 2048 : i32
    %mul3A_2 = arith.muli %add3A, %mul3A_1 : i32
    "tpu.region"() ({
      %run_scoped3A = tpu.sem_alloc : memref<!tpu.dma_semaphore, #tpu.memory_space<semaphore_mem>>
      %dma_start3A_120 = tpu.memref_slice %arg2[%mul3A_2] : memref<65536xi32, #tpu.memory_space<hbm>> -> memref<2048xi32, #tpu.memory_space<hbm>>
      %dma_start3A_121 = tpu.memref_slice %arg2[%mul3A_2] : memref<65536xi32, #tpu.memory_space<hbm>> -> memref<2048xi32, #tpu.memory_space<hbm>>
      tpu.enqueue_dma source(%dma_start3A_121 : memref<2048xi32, #tpu.memory_space<hbm>>) target(%arg6 : memref<2048xi32, #tpu.memory_space<vmem>>) target_semaphore(%run_scoped3A : memref<!tpu.dma_semaphore, #tpu.memory_space<semaphore_mem>>)
      %dma_wait3A_122 = tpu.memref_slice %arg2[%mul3A_2] : memref<65536xi32, #tpu.memory_space<hbm>> -> memref<2048xi32, #tpu.memory_space<hbm>>
      %dma_wait3A_123 = tpu.memref_slice %arg2[%mul3A_2] : memref<65536xi32, #tpu.memory_space<hbm>> -> memref<2048xi32, #tpu.memory_space<hbm>>
      tpu.wait_dma2 semaphore(%run_scoped3A : memref<!tpu.dma_semaphore, #tpu.memory_space<semaphore_mem>>) src(%dma_wait3A_123 : memref<2048xi32, #tpu.memory_space<hbm>>) dst(%arg6 : memref<2048xi32, #tpu.memory_space<vmem>>)
      tpu.yield
    }) : () -> ()
    "tpu.region"() ({
      %run_scoped3A = tpu.sem_alloc : memref<!tpu.dma_semaphore, #tpu.memory_space<semaphore_mem>>
      %dma_start3A_120 = tpu.memref_slice %arg3[%mul3A_2] : memref<65536xi32, #tpu.memory_space<hbm>> -> memref<2048xi32, #tpu.memory_space<hbm>>
      %dma_start3A_121 = tpu.memref_slice %arg3[%mul3A_2] : memref<65536xi32, #tpu.memory_space<hbm>> -> memref<2048xi32, #tpu.memory_space<hbm>>
      tpu.enqueue_dma source(%dma_start3A_121 : memref<2048xi32, #tpu.memory_space<hbm>>) target(%arg7 : memref<2048xi32, #tpu.memory_space<vmem>>) target_semaphore(%run_scoped3A : memref<!tpu.dma_semaphore, #tpu.memory_space<semaphore_mem>>)
      %dma_wait3A_122 = tpu.memref_slice %arg3[%mul3A_2] : memref<65536xi32, #tpu.memory_space<hbm>> -> memref<2048xi32, #tpu.memory_space<hbm>>
      %dma_wait3A_123 = tpu.memref_slice %arg3[%mul3A_2] : memref<65536xi32, #tpu.memory_space<hbm>> -> memref<2048xi32, #tpu.memory_space<hbm>>
      tpu.wait_dma2 semaphore(%run_scoped3A : memref<!tpu.dma_semaphore, #tpu.memory_space<semaphore_mem>>) src(%dma_wait3A_123 : memref<2048xi32, #tpu.memory_space<hbm>>) dst(%arg7 : memref<2048xi32, #tpu.memory_space<vmem>>)
      tpu.yield
    }) : () -> ()
    %scan3A = arith.constant 0 : i32
    %scan3A_3 = arith.constant 0 : i32
    %scan3A_4 = arith.constant 16 : i32
    %scan3A_5 = arith.addi %scan3A_3, %scan3A_4 : i32
    %scan3A_6 = arith.constant 1 : i32
    scf.for %scan3A_120 = %scan3A_3 to %scan3A_5 step %scan3A_6  : i32 {
      %mul3A_121 = arith.constant 128 : i32
      %mul3A_122 = arith.muli %scan3A_120, %mul3A_121 : i32
      %add3A_123 = arith.constant 0 : i32
      %add3A_124 = arith.addi %mul3A_122, %add3A_123 : i32
      %get3A = arith.index_cast %add3A_124 : i32 to index
      %get3A_125 = tpu.vector_load %arg6[%get3A] {strides = array<i32>} : memref<2048xi32, #tpu.memory_space<vmem>>, vector<16xi32>,
      %get3A_126 = vector.shape_cast %get3A_125 : vector<16xi32> to vector<16xi32>
      %mul3A_127 = arith.constant 32 : i32
      %mul3A_128 = vector.broadcast %mul3A_127 : i32 to vector<16xi32>
      %mul3A_129 = arith.muli %get3A_126, %mul3A_128 : vector<16xi32>
      %get3A_130 = arith.index_cast %add3A_124 : i32 to index
      %get3A_131 = tpu.vector_load %arg7[%get3A_130] {strides = array<i32>} : memref<2048xi32, #tpu.memory_space<vmem>>, vector<16xi32>,
      %get3A_132 = vector.shape_cast %get3A_131 : vector<16xi32> to vector<16xi32>
      %add3A_133 = arith.addi %mul3A_129, %get3A_132 : vector<16xi32>
      %swap3A = arith.index_cast %scan3A_120 : i32 to index
      %swap3A_134 = arith.constant 0 : index
      %swap3A_135 = tpu.vector_load %arg8[%swap3A, %swap3A_134] {strides = array<i32>} : memref<16x128xi32, #tpu.memory_space<vmem>>, vector<1x16xi32>,
      %swap3A_136 = vector.shape_cast %swap3A_135 : vector<1x16xi32> to vector<16xi32>
      %swap3A_137 = vector.shape_cast %add3A_133 : vector<16xi32> to vector<1x16xi32>
      tpu.vector_store %arg8[%swap3A, %swap3A_134], %swap3A_137 {strides = array<i32>} : memref<16x128xi32, #tpu.memory_space<vmem>>, vector<1x16xi32>,
      %mul3A_138 = arith.constant 128 : i32
      %mul3A_139 = arith.muli %scan3A_120, %mul3A_138 : i32
      %add3A_140 = arith.constant 16 : i32
      %add3A_141 = arith.addi %mul3A_139, %add3A_140 : i32
      %get3A_142 = arith.index_cast %add3A_141 : i32 to index
      %get3A_143 = tpu.vector_load %arg6[%get3A_142] {strides = array<i32>} : memref<2048xi32, #tpu.memory_space<vmem>>, vector<16xi32>,
      %get3A_144 = vector.shape_cast %get3A_143 : vector<16xi32> to vector<16xi32>
      %mul3A_145 = arith.constant 32 : i32
      %mul3A_146 = vector.broadcast %mul3A_145 : i32 to vector<16xi32>
      %mul3A_147 = arith.muli %get3A_144, %mul3A_146 : vector<16xi32>
      %get3A_148 = arith.index_cast %add3A_141 : i32 to index
      %get3A_149 = tpu.vector_load %arg7[%get3A_148] {strides = array<i32>} : memref<2048xi32, #tpu.memory_space<vmem>>, vector<16xi32>,
      %get3A_150 = vector.shape_cast %get3A_149 : vector<16xi32> to vector<16xi32>
      %add3A_151 = arith.addi %mul3A_147, %get3A_150 : vector<16xi32>
      %swap3A_152 = arith.index_cast %scan3A_120 : i32 to index
      %swap3A_153 = arith.constant 16 : index
      %swap3A_154 = tpu.vector_load %arg8[%swap3A_152, %swap3A_153] {strides = array<i32>} : memref<16x128xi32, #tpu.memory_space<vmem>>, vector<1x16xi32>,
      %swap3A_155 = vector.shape_cast %swap3A_154 : vector<1x16xi32> to vector<16xi32>
      %swap3A_156 = vector.shape_cast %add3A_151 : vector<16xi32> to vector<1x16xi32>
      tpu.vector_store %arg8[%swap3A_152, %swap3A_153], %swap3A_156 {strides = array<i32>} : memref<16x128xi32, #tpu.memory_space<vmem>>, vector<1x16xi32>,
      %mul3A_157 = arith.constant 128 : i32
      %mul3A_158 = arith.muli %scan3A_120, %mul3A_157 : i32
      %add3A_159 = arith.constant 32 : i32
      %add3A_160 = arith.addi %mul3A_158, %add3A_159 : i32
      %get3A_161 = arith.index_cast %add3A_160 : i32 to index
      %get3A_162 = tpu.vector_load %arg6[%get3A_161] {strides = array<i32>} : memref<2048xi32, #tpu.memory_space<vmem>>, vector<16xi32>,
      %get3A_163 = vector.shape_cast %get3A_162 : vector<16xi32> to vector<16xi32>
      %mul3A_164 = arith.constant 32 : i32
      %mul3A_165 = vector.broadcast %mul3A_164 : i32 to vector<16xi32>
      %mul3A_166 = arith.muli %get3A_163, %mul3A_165 : vector<16xi32>
      %get3A_167 = arith.index_cast %add3A_160 : i32 to index
      %get3A_168 = tpu.vector_load %arg7[%get3A_167] {strides = array<i32>} : memref<2048xi32, #tpu.memory_space<vmem>>, vector<16xi32>,
      %get3A_169 = vector.shape_cast %get3A_168 : vector<16xi32> to vector<16xi32>
      %add3A_170 = arith.addi %mul3A_166, %get3A_169 : vector<16xi32>
      %swap3A_171 = arith.index_cast %scan3A_120 : i32 to index
      %swap3A_172 = arith.constant 32 : index
      %swap3A_173 = tpu.vector_load %arg8[%swap3A_171, %swap3A_172] {strides = array<i32>} : memref<16x128xi32, #tpu.memory_space<vmem>>, vector<1x16xi32>,
      %swap3A_174 = vector.shape_cast %swap3A_173 : vector<1x16xi32> to vector<16xi32>
      %swap3A_175 = vector.shape_cast %add3A_170 : vector<16xi32> to vector<1x16xi32>
      tpu.vector_store %arg8[%swap3A_171, %swap3A_172], %swap3A_175 {strides = array<i32>} : memref<16x128xi32, #tpu.memory_space<vmem>>, vector<1x16xi32>,
      %mul3A_176 = arith.constant 128 : i32
      %mul3A_177 = arith.muli %scan3A_120, %mul3A_176 : i32
      %add3A_178 = arith.constant 48 : i32
      %add3A_179 = arith.addi %mul3A_177, %add3A_178 : i32
      %get3A_180 = arith.index_cast %add3A_179 : i32 to index
      %get3A_181 = tpu.vector_load %arg6[%get3A_180] {strides = array<i32>} : memref<2048xi32, #tpu.memory_space<vmem>>, vector<16xi32>,
      %get3A_182 = vector.shape_cast %get3A_181 : vector<16xi32> to vector<16xi32>
      %mul3A_183 = arith.constant 32 : i32
      %mul3A_184 = vector.broadcast %mul3A_183 : i32 to vector<16xi32>
      %mul3A_185 = arith.muli %get3A_182, %mul3A_184 : vector<16xi32>
      %get3A_186 = arith.index_cast %add3A_179 : i32 to index
      %get3A_187 = tpu.vector_load %arg7[%get3A_186] {strides = array<i32>} : memref<2048xi32, #tpu.memory_space<vmem>>, vector<16xi32>,
      %get3A_188 = vector.shape_cast %get3A_187 : vector<16xi32> to vector<16xi32>
      %add3A_189 = arith.addi %mul3A_185, %get3A_188 : vector<16xi32>
      %swap3A_190 = arith.index_cast %scan3A_120 : i32 to index
      %swap3A_191 = arith.constant 48 : index
      %swap3A_192 = tpu.vector_load %arg8[%swap3A_190, %swap3A_191] {strides = array<i32>} : memref<16x128xi32, #tpu.memory_space<vmem>>, vector<1x16xi32>,
      %swap3A_193 = vector.shape_cast %swap3A_192 : vector<1x16xi32> to vector<16xi32>
      %swap3A_194 = vector.shape_cast %add3A_189 : vector<16xi32> to vector<1x16xi32>
      tpu.vector_store %arg8[%swap3A_190, %swap3A_191], %swap3A_194 {strides = array<i32>} : memref<16x128xi32, #tpu.memory_space<vmem>>, vector<1x16xi32>,
      %mul3A_195 = arith.constant 128 : i32
      %mul3A_196 = arith.muli %scan3A_120, %mul3A_195 : i32
      %add3A_197 = arith.constant 64 : i32
      %add3A_198 = arith.addi %mul3A_196, %add3A_197 : i32
      %get3A_199 = arith.index_cast %add3A_198 : i32 to index
      %get3A_200 = tpu.vector_load %arg6[%get3A_199] {strides = array<i32>} : memref<2048xi32, #tpu.memory_space<vmem>>, vector<16xi32>,
      %get3A_201 = vector.shape_cast %get3A_200 : vector<16xi32> to vector<16xi32>
      %mul3A_202 = arith.constant 32 : i32
      %mul3A_203 = vector.broadcast %mul3A_202 : i32 to vector<16xi32>
      %mul3A_204 = arith.muli %get3A_201, %mul3A_203 : vector<16xi32>
      %get3A_205 = arith.index_cast %add3A_198 : i32 to index
      %get3A_206 = tpu.vector_load %arg7[%get3A_205] {strides = array<i32>} : memref<2048xi32, #tpu.memory_space<vmem>>, vector<16xi32>,
      %get3A_207 = vector.shape_cast %get3A_206 : vector<16xi32> to vector<16xi32>
      %add3A_208 = arith.addi %mul3A_204, %get3A_207 : vector<16xi32>
      %swap3A_209 = arith.index_cast %scan3A_120 : i32 to index
      %swap3A_210 = arith.constant 64 : index
      %swap3A_211 = tpu.vector_load %arg8[%swap3A_209, %swap3A_210] {strides = array<i32>} : memref<16x128xi32, #tpu.memory_space<vmem>>, vector<1x16xi32>,
      %swap3A_212 = vector.shape_cast %swap3A_211 : vector<1x16xi32> to vector<16xi32>
      %swap3A_213 = vector.shape_cast %add3A_208 : vector<16xi32> to vector<1x16xi32>
      tpu.vector_store %arg8[%swap3A_209, %swap3A_210], %swap3A_213 {strides = array<i32>} : memref<16x128xi32, #tpu.memory_space<vmem>>, vector<1x16xi32>,
      %mul3A_214 = arith.constant 128 : i32
      %mul3A_215 = arith.muli %scan3A_120, %mul3A_214 : i32
      %add3A_216 = arith.constant 80 : i32
      %add3A_217 = arith.addi %mul3A_215, %add3A_216 : i32
      %get3A_218 = arith.index_cast %add3A_217 : i32 to index
      %get3A_219 = tpu.vector_load %arg6[%get3A_218] {strides = array<i32>} : memref<2048xi32, #tpu.memory_space<vmem>>, vector<16xi32>,
      %get3A_220 = vector.shape_cast %get3A_219 : vector<16xi32> to vector<16xi32>
      %mul3A_221 = arith.constant 32 : i32
      %mul3A_222 = vector.broadcast %mul3A_221 : i32 to vector<16xi32>
      %mul3A_223 = arith.muli %get3A_220, %mul3A_222 : vector<16xi32>
      %get3A_224 = arith.index_cast %add3A_217 : i32 to index
      %get3A_225 = tpu.vector_load %arg7[%get3A_224] {strides = array<i32>} : memref<2048xi32, #tpu.memory_space<vmem>>, vector<16xi32>,
      %get3A_226 = vector.shape_cast %get3A_225 : vector<16xi32> to vector<16xi32>
      %add3A_227 = arith.addi %mul3A_223, %get3A_226 : vector<16xi32>
      %swap3A_228 = arith.index_cast %scan3A_120 : i32 to index
      %swap3A_229 = arith.constant 80 : index
      %swap3A_230 = tpu.vector_load %arg8[%swap3A_228, %swap3A_229] {strides = array<i32>} : memref<16x128xi32, #tpu.memory_space<vmem>>, vector<1x16xi32>,
      %swap3A_231 = vector.shape_cast %swap3A_230 : vector<1x16xi32> to vector<16xi32>
      %swap3A_232 = vector.shape_cast %add3A_227 : vector<16xi32> to vector<1x16xi32>
      tpu.vector_store %arg8[%swap3A_228, %swap3A_229], %swap3A_232 {strides = array<i32>} : memref<16x128xi32, #tpu.memory_space<vmem>>, vector<1x16xi32>,
      %mul3A_233 = arith.constant 128 : i32
      %mul3A_234 = arith.muli %scan3A_120, %mul3A_233 : i32
      %add3A_235 = arith.constant 96 : i32
      %add3A_236 = arith.addi %mul3A_234, %add3A_235 : i32
      %get3A_237 = arith.index_cast %add3A_236 : i32 to index
      %get3A_238 = tpu.vector_load %arg6[%get3A_237] {strides = array<i32>} : memref<2048xi32, #tpu.memory_space<vmem>>, vector<16xi32>,
      %get3A_239 = vector.shape_cast %get3A_238 : vector<16xi32> to vector<16xi32>
      %mul3A_240 = arith.constant 32 : i32
      %mul3A_241 = vector.broadcast %mul3A_240 : i32 to vector<16xi32>
      %mul3A_242 = arith.muli %get3A_239, %mul3A_241 : vector<16xi32>
      %get3A_243 = arith.index_cast %add3A_236 : i32 to index
      %get3A_244 = tpu.vector_load %arg7[%get3A_243] {strides = array<i32>} : memref<2048xi32, #tpu.memory_space<vmem>>, vector<16xi32>,
      %get3A_245 = vector.shape_cast %get3A_244 : vector<16xi32> to vector<16xi32>
      %add3A_246 = arith.addi %mul3A_242, %get3A_245 : vector<16xi32>
      %swap3A_247 = arith.index_cast %scan3A_120 : i32 to index
      %swap3A_248 = arith.constant 96 : index
      %swap3A_249 = tpu.vector_load %arg8[%swap3A_247, %swap3A_248] {strides = array<i32>} : memref<16x128xi32, #tpu.memory_space<vmem>>, vector<1x16xi32>,
      %swap3A_250 = vector.shape_cast %swap3A_249 : vector<1x16xi32> to vector<16xi32>
      %swap3A_251 = vector.shape_cast %add3A_246 : vector<16xi32> to vector<1x16xi32>
      tpu.vector_store %arg8[%swap3A_247, %swap3A_248], %swap3A_251 {strides = array<i32>} : memref<16x128xi32, #tpu.memory_space<vmem>>, vector<1x16xi32>,
      %mul3A_252 = arith.constant 128 : i32
      %mul3A_253 = arith.muli %scan3A_120, %mul3A_252 : i32
      %add3A_254 = arith.constant 112 : i32
      %add3A_255 = arith.addi %mul3A_253, %add3A_254 : i32
      %get3A_256 = arith.index_cast %add3A_255 : i32 to index
      %get3A_257 = tpu.vector_load %arg6[%get3A_256] {strides = array<i32>} : memref<2048xi32, #tpu.memory_space<vmem>>, vector<16xi32>,
      %get3A_258 = vector.shape_cast %get3A_257 : vector<16xi32> to vector<16xi32>
      %mul3A_259 = arith.constant 32 : i32
      %mul3A_260 = vector.broadcast %mul3A_259 : i32 to vector<16xi32>
      %mul3A_261 = arith.muli %get3A_258, %mul3A_260 : vector<16xi32>
      %get3A_262 = arith.index_cast %add3A_255 : i32 to index
      %get3A_263 = tpu.vector_load %arg7[%get3A_262] {strides = array<i32>} : memref<2048xi32, #tpu.memory_space<vmem>>, vector<16xi32>,
      %get3A_264 = vector.shape_cast %get3A_263 : vector<16xi32> to vector<16xi32>
      %add3A_265 = arith.addi %mul3A_261, %get3A_264 : vector<16xi32>
      %swap3A_266 = arith.index_cast %scan3A_120 : i32 to index
      %swap3A_267 = arith.constant 112 : index
      %swap3A_268 = tpu.vector_load %arg8[%swap3A_266, %swap3A_267] {strides = array<i32>} : memref<16x128xi32, #tpu.memory_space<vmem>>, vector<1x16xi32>,
      %swap3A_269 = vector.shape_cast %swap3A_268 : vector<1x16xi32> to vector<16xi32>
      %swap3A_270 = vector.shape_cast %add3A_265 : vector<16xi32> to vector<1x16xi32>
      tpu.vector_store %arg8[%swap3A_266, %swap3A_267], %swap3A_270 {strides = array<i32>} : memref<16x128xi32, #tpu.memory_space<vmem>>, vector<1x16xi32>,
    }
    %scan3A_7 = arith.constant 16 : i32
    %dma_start3A = arith.constant 0 : i32
    %dma_start3A_8 = arith.constant 0 : i32
    %dma_start3A_9 = arith.constant 0 : i32
    %dma_start3A_10 = arith.constant 0 : i32
    %dma_start3A_11 = tpu.memref_slice %arg9[%dma_start3A_8, %dma_start3A_9, %dma_start3A_10] : memref<4x128x128xf32, #tpu.memory_space<vmem>> -> memref<1x128x128xf32, #tpu.memory_space<vmem>>
    %dma_start3A_12 = tpu.memref_squeeze %dma_start3A_11 : memref<1x128x128xf32, #tpu.memory_space<vmem>> -> memref<128x128xf32, #tpu.memory_space<vmem>>
    %dma_start3A_13 = arith.constant 0 : i32
    %dma_start3A_14 = tpu.memref_slice %arg8[%dma_start3A, %dma_start3A_13] : memref<16x128xi32, #tpu.memory_space<vmem>> -> memref<1x128xi32, #tpu.memory_space<vmem>>
    %dma_start3A_15 = tpu.memref_squeeze %dma_start3A_14 : memref<1x128xi32, #tpu.memory_space<vmem>> -> memref<128xi32, #tpu.memory_space<vmem>>
    %dma_start3A_16 = arith.constant 0 : i32
    %dma_start3A_17 = arith.constant 0 : i32
    %dma_start3A_18 = tpu.memref_slice %arg4[%dma_start3A_16, %dma_start3A_17] : memref<1024x128xf32, #tpu.memory_space<hbm>> -> memref<1024x128xf32, #tpu.memory_space<hbm>>
    tpu.enqueue_indirect_dma source(%dma_start3A_18 : memref<1024x128xf32, #tpu.memory_space<hbm>>) target(%dma_start3A_12 : memref<128x128xf32, #tpu.memory_space<vmem>>) offsets(%dma_start3A_15 : memref<128xi32, #tpu.memory_space<vmem>>) semaphore(%arg10 : memref<!tpu.dma_semaphore, #tpu.memory_space<semaphore_mem>>)
    %dma_start3A_19 = arith.constant 1 : i32
    %dma_start3A_20 = arith.constant 1 : i32
    %dma_start3A_21 = arith.constant 0 : i32
    %dma_start3A_22 = arith.constant 0 : i32
    %dma_start3A_23 = tpu.memref_slice %arg9[%dma_start3A_20, %dma_start3A_21, %dma_start3A_22] : memref<4x128x128xf32, #tpu.memory_space<vmem>> -> memref<1x128x128xf32, #tpu.memory_space<vmem>>
    %dma_start3A_24 = tpu.memref_squeeze %dma_start3A_23 : memref<1x128x128xf32, #tpu.memory_space<vmem>> -> memref<128x128xf32, #tpu.memory_space<vmem>>
    %dma_start3A_25 = arith.constant 0 : i32
    %dma_start3A_26 = tpu.memref_slice %arg8[%dma_start3A_19, %dma_start3A_25] : memref<16x128xi32, #tpu.memory_space<vmem>> -> memref<1x128xi32, #tpu.memory_space<vmem>>
    %dma_start3A_27 = tpu.memref_squeeze %dma_start3A_26 : memref<1x128xi32, #tpu.memory_space<vmem>> -> memref<128xi32, #tpu.memory_space<vmem>>
    %dma_start3A_28 = arith.constant 0 : i32
    %dma_start3A_29 = arith.constant 0 : i32
    %dma_start3A_30 = tpu.memref_slice %arg4[%dma_start3A_28, %dma_start3A_29] : memref<1024x128xf32, #tpu.memory_space<hbm>> -> memref<1024x128xf32, #tpu.memory_space<hbm>>
    tpu.enqueue_indirect_dma source(%dma_start3A_30 : memref<1024x128xf32, #tpu.memory_space<hbm>>) target(%dma_start3A_24 : memref<128x128xf32, #tpu.memory_space<vmem>>) offsets(%dma_start3A_27 : memref<128xi32, #tpu.memory_space<vmem>>) semaphore(%arg11 : memref<!tpu.dma_semaphore, #tpu.memory_space<semaphore_mem>>)
    %dma_start3A_31 = arith.constant 2 : i32
    %dma_start3A_32 = arith.constant 2 : i32
    %dma_start3A_33 = arith.constant 0 : i32
    %dma_start3A_34 = arith.constant 0 : i32
    %dma_start3A_35 = tpu.memref_slice %arg9[%dma_start3A_32, %dma_start3A_33, %dma_start3A_34] : memref<4x128x128xf32, #tpu.memory_space<vmem>> -> memref<1x128x128xf32, #tpu.memory_space<vmem>>
    %dma_start3A_36 = tpu.memref_squeeze %dma_start3A_35 : memref<1x128x128xf32, #tpu.memory_space<vmem>> -> memref<128x128xf32, #tpu.memory_space<vmem>>
    %dma_start3A_37 = arith.constant 0 : i32
    %dma_start3A_38 = tpu.memref_slice %arg8[%dma_start3A_31, %dma_start3A_37] : memref<16x128xi32, #tpu.memory_space<vmem>> -> memref<1x128xi32, #tpu.memory_space<vmem>>
    %dma_start3A_39 = tpu.memref_squeeze %dma_start3A_38 : memref<1x128xi32, #tpu.memory_space<vmem>> -> memref<128xi32, #tpu.memory_space<vmem>>
    %dma_start3A_40 = arith.constant 0 : i32
    %dma_start3A_41 = arith.constant 0 : i32
    %dma_start3A_42 = tpu.memref_slice %arg4[%dma_start3A_40, %dma_start3A_41] : memref<1024x128xf32, #tpu.memory_space<hbm>> -> memref<1024x128xf32, #tpu.memory_space<hbm>>
    tpu.enqueue_indirect_dma source(%dma_start3A_42 : memref<1024x128xf32, #tpu.memory_space<hbm>>) target(%dma_start3A_36 : memref<128x128xf32, #tpu.memory_space<vmem>>) offsets(%dma_start3A_39 : memref<128xi32, #tpu.memory_space<vmem>>) semaphore(%arg12 : memref<!tpu.dma_semaphore, #tpu.memory_space<semaphore_mem>>)
    %dma_start3A_43 = arith.constant 3 : i32
    %dma_start3A_44 = arith.constant 3 : i32
    %dma_start3A_45 = arith.constant 0 : i32
    %dma_start3A_46 = arith.constant 0 : i32
    %dma_start3A_47 = tpu.memref_slice %arg9[%dma_start3A_44, %dma_start3A_45, %dma_start3A_46] : memref<4x128x128xf32, #tpu.memory_space<vmem>> -> memref<1x128x128xf32, #tpu.memory_space<vmem>>
    %dma_start3A_48 = tpu.memref_squeeze %dma_start3A_47 : memref<1x128x128xf32, #tpu.memory_space<vmem>> -> memref<128x128xf32, #tpu.memory_space<vmem>>
    %dma_start3A_49 = arith.constant 0 : i32
    %dma_start3A_50 = tpu.memref_slice %arg8[%dma_start3A_43, %dma_start3A_49] : memref<16x128xi32, #tpu.memory_space<vmem>> -> memref<1x128xi32, #tpu.memory_space<vmem>>
    %dma_start3A_51 = tpu.memref_squeeze %dma_start3A_50 : memref<1x128xi32, #tpu.memory_space<vmem>> -> memref<128xi32, #tpu.memory_space<vmem>>
    %dma_start3A_52 = arith.constant 0 : i32
    %dma_start3A_53 = arith.constant 0 : i32
    %dma_start3A_54 = tpu.memref_slice %arg4[%dma_start3A_52, %dma_start3A_53] : memref<1024x128xf32, #tpu.memory_space<hbm>> -> memref<1024x128xf32, #tpu.memory_space<hbm>>
    tpu.enqueue_indirect_dma source(%dma_start3A_54 : memref<1024x128xf32, #tpu.memory_space<hbm>>) target(%dma_start3A_48 : memref<128x128xf32, #tpu.memory_space<vmem>>) offsets(%dma_start3A_51 : memref<128xi32, #tpu.memory_space<vmem>>) semaphore(%arg13 : memref<!tpu.dma_semaphore, #tpu.memory_space<semaphore_mem>>)
    %scan3A_55 = arith.constant 0 : i32
    %scan3A_56 = arith.constant 0 : i32
    %scan3A_57 = arith.constant 4 : i32
    %scan3A_58 = arith.addi %scan3A_56, %scan3A_57 : i32
    %scan3A_59 = arith.constant 1 : i32
    scf.for %scan3A_120 = %scan3A_56 to %scan3A_58 step %scan3A_59  : i32 {
      %mul3A_121 = arith.constant 4 : i32
      %mul3A_122 = arith.muli %scan3A_120, %mul3A_121 : i32
      %add3A_123 = arith.constant 0 : i32
      %add3A_124 = arith.addi %mul3A_122, %add3A_123 : i32
      %mul3A_125 = arith.constant 128 : i32
      %mul3A_126 = arith.muli %add3A_124, %mul3A_125 : i32
      %add3A_127 = arith.addi %mul3A_2, %mul3A_126 : i32
      %dma_wait3A_128 = arith.constant 0 : i32
      %dma_wait3A_129 = arith.constant 0 : i32
      %dma_wait3A_130 = arith.constant 0 : i32
      %dma_wait3A_131 = tpu.memref_slice %arg9[%dma_wait3A_128, %dma_wait3A_129, %dma_wait3A_130] : memref<4x128x128xf32, #tpu.memory_space<vmem>> -> memref<1x128x128xf32, #tpu.memory_space<vmem>>
      %dma_wait3A_132 = tpu.memref_squeeze %dma_wait3A_131 : memref<1x128x128xf32, #tpu.memory_space<vmem>> -> memref<128x128xf32, #tpu.memory_space<vmem>>
      %dma_wait3A_133 = arith.constant 0 : i32
      %dma_wait3A_134 = tpu.memref_slice %arg8[%add3A_124, %dma_wait3A_133] : memref<16x128xi32, #tpu.memory_space<vmem>> -> memref<1x128xi32, #tpu.memory_space<vmem>>
      %dma_wait3A_135 = tpu.memref_squeeze %dma_wait3A_134 : memref<1x128xi32, #tpu.memory_space<vmem>> -> memref<128xi32, #tpu.memory_space<vmem>>
      %dma_wait3A_136 = arith.constant 0 : i32
      %dma_wait3A_137 = arith.constant 0 : i32
      %dma_wait3A_138 = tpu.memref_slice %arg4[%dma_wait3A_136, %dma_wait3A_137] : memref<1024x128xf32, #tpu.memory_space<hbm>> -> memref<1024x128xf32, #tpu.memory_space<hbm>>
      tpu.wait_indirect_dma semaphore(%arg10 : memref<!tpu.dma_semaphore, #tpu.memory_space<semaphore_mem>>) src(%dma_wait3A_138 : memref<1024x128xf32, #tpu.memory_space<hbm>>) dst(%dma_wait3A_132 : memref<128x128xf32, #tpu.memory_space<vmem>>)
      %dma_start3A_139 = arith.constant 0 : i32
      %dma_start3A_140 = arith.constant 0 : i32
      %dma_start3A_141 = arith.constant 0 : i32
      %dma_start3A_142 = tpu.memref_slice %arg9[%dma_start3A_139, %dma_start3A_140, %dma_start3A_141] : memref<4x128x128xf32, #tpu.memory_space<vmem>> -> memref<1x128x128xf32, #tpu.memory_space<vmem>>
      %dma_start3A_143 = tpu.memref_squeeze %dma_start3A_142 : memref<1x128x128xf32, #tpu.memory_space<vmem>> -> memref<128x128xf32, #tpu.memory_space<vmem>>
      %dma_start3A_144 = arith.constant 0 : i32
      %dma_start3A_145 = tpu.memref_slice %arg5[%add3A_127, %dma_start3A_144] : memref<65536x128xf32, #tpu.memory_space<hbm>> -> memref<128x128xf32, #tpu.memory_space<hbm>>
      %dma_start3A_146 = arith.constant 0 : i32
      %dma_start3A_147 = tpu.memref_slice %arg5[%add3A_127, %dma_start3A_146] : memref<65536x128xf32, #tpu.memory_space<hbm>> -> memref<128x128xf32, #tpu.memory_space<hbm>>
      %dma_start3A_148 = arith.constant 0 : i32
      %dma_start3A_149 = arith.constant 0 : i32
      %dma_start3A_150 = tpu.memref_slice %arg9[%dma_start3A_139, %dma_start3A_148, %dma_start3A_149] : memref<4x128x128xf32, #tpu.memory_space<vmem>> -> memref<1x128x128xf32, #tpu.memory_space<vmem>>
      %dma_start3A_151 = tpu.memref_squeeze %dma_start3A_150 : memref<1x128x128xf32, #tpu.memory_space<vmem>> -> memref<128x128xf32, #tpu.memory_space<vmem>>
      tpu.enqueue_dma source(%dma_start3A_151 : memref<128x128xf32, #tpu.memory_space<vmem>>) target(%dma_start3A_147 : memref<128x128xf32, #tpu.memory_space<hbm>>) target_semaphore(%arg14 : memref<!tpu.dma_semaphore, #tpu.memory_space<semaphore_mem>>)
      %lt3A = arith.constant 3 : i32
      %lt3A_152 = arith.cmpi slt, %scan3A_120, %lt3A : i32
      %convert_element_type3A = arith.extui %lt3A_152 : i1 to i32
      %cond3A = arith.constant 0 : i32
      %cond3A_153 = arith.constant 0 : i32
      %cond3A_154 = arith.cmpi ne, %convert_element_type3A, %cond3A_153 : i32
      scf.if %cond3A_154 {
        %dma_wait3A_266 = arith.constant 0 : i32
        %dma_wait3A_267 = arith.constant 0 : i32
        %dma_wait3A_268 = tpu.memref_slice %arg9[%cond3A, %dma_wait3A_266, %dma_wait3A_267] : memref<4x128x128xf32, #tpu.memory_space<vmem>> -> memref<1x128x128xf32, #tpu.memory_space<vmem>>
        %dma_wait3A_269 = tpu.memref_squeeze %dma_wait3A_268 : memref<1x128x128xf32, #tpu.memory_space<vmem>> -> memref<128x128xf32, #tpu.memory_space<vmem>>
        %dma_wait3A_270 = arith.constant 0 : i32
        %dma_wait3A_271 = tpu.memref_slice %arg5[%add3A_127, %dma_wait3A_270] : memref<65536x128xf32, #tpu.memory_space<hbm>> -> memref<128x128xf32, #tpu.memory_space<hbm>>
        %dma_wait3A_272 = arith.constant 0 : i32
        %dma_wait3A_273 = tpu.memref_slice %arg5[%add3A_127, %dma_wait3A_272] : memref<65536x128xf32, #tpu.memory_space<hbm>> -> memref<128x128xf32, #tpu.memory_space<hbm>>
        %dma_wait3A_274 = arith.constant 0 : i32
        %dma_wait3A_275 = arith.constant 0 : i32
        %dma_wait3A_276 = tpu.memref_slice %arg9[%cond3A, %dma_wait3A_274, %dma_wait3A_275] : memref<4x128x128xf32, #tpu.memory_space<vmem>> -> memref<1x128x128xf32, #tpu.memory_space<vmem>>
        %dma_wait3A_277 = tpu.memref_squeeze %dma_wait3A_276 : memref<1x128x128xf32, #tpu.memory_space<vmem>> -> memref<128x128xf32, #tpu.memory_space<vmem>>
        tpu.wait_dma2 semaphore(%arg14 : memref<!tpu.dma_semaphore, #tpu.memory_space<semaphore_mem>>) src(%dma_wait3A_277 : memref<128x128xf32, #tpu.memory_space<vmem>>) dst(%dma_wait3A_273 : memref<128x128xf32, #tpu.memory_space<hbm>>)
        %add3A_278 = arith.constant 4 : i32
        %add3A_279 = arith.addi %add3A_124, %add3A_278 : i32
        %dma_start3A_280 = arith.constant 0 : i32
        %dma_start3A_281 = arith.constant 0 : i32
        %dma_start3A_282 = arith.constant 0 : i32
        %dma_start3A_283 = tpu.memref_slice %arg9[%dma_start3A_280, %dma_start3A_281, %dma_start3A_282] : memref<4x128x128xf32, #tpu.memory_space<vmem>> -> memref<1x128x128xf32, #tpu.memory_space<vmem>>
        %dma_start3A_284 = tpu.memref_squeeze %dma_start3A_283 : memref<1x128x128xf32, #tpu.memory_space<vmem>> -> memref<128x128xf32, #tpu.memory_space<vmem>>
        %dma_start3A_285 = arith.constant 0 : i32
        %dma_start3A_286 = tpu.memref_slice %arg8[%add3A_279, %dma_start3A_285] : memref<16x128xi32, #tpu.memory_space<vmem>> -> memref<1x128xi32, #tpu.memory_space<vmem>>
        %dma_start3A_287 = tpu.memref_squeeze %dma_start3A_286 : memref<1x128xi32, #tpu.memory_space<vmem>> -> memref<128xi32, #tpu.memory_space<vmem>>
        %dma_start3A_288 = arith.constant 0 : i32
        %dma_start3A_289 = arith.constant 0 : i32
        %dma_start3A_290 = tpu.memref_slice %arg4[%dma_start3A_288, %dma_start3A_289] : memref<1024x128xf32, #tpu.memory_space<hbm>> -> memref<1024x128xf32, #tpu.memory_space<hbm>>
        tpu.enqueue_indirect_dma source(%dma_start3A_290 : memref<1024x128xf32, #tpu.memory_space<hbm>>) target(%dma_start3A_284 : memref<128x128xf32, #tpu.memory_space<vmem>>) offsets(%dma_start3A_287 : memref<128xi32, #tpu.memory_space<vmem>>) semaphore(%arg10 : memref<!tpu.dma_semaphore, #tpu.memory_space<semaphore_mem>>)
      } else {
      }
      %mul3A_155 = arith.constant 4 : i32
      %mul3A_156 = arith.muli %scan3A_120, %mul3A_155 : i32
      %add3A_157 = arith.constant 1 : i32
      %add3A_158 = arith.addi %mul3A_156, %add3A_157 : i32
      %mul3A_159 = arith.constant 128 : i32
      %mul3A_160 = arith.muli %add3A_158, %mul3A_159 : i32
      %add3A_161 = arith.addi %mul3A_2, %mul3A_160 : i32
      %dma_wait3A_162 = arith.constant 1 : i32
      %dma_wait3A_163 = arith.constant 0 : i32
      %dma_wait3A_164 = arith.constant 0 : i32
      %dma_wait3A_165 = tpu.memref_slice %arg9[%dma_wait3A_162, %dma_wait3A_163, %dma_wait3A_164] : memref<4x128x128xf32, #tpu.memory_space<vmem>> -> memref<1x128x128xf32, #tpu.memory_space<vmem>>
      %dma_wait3A_166 = tpu.memref_squeeze %dma_wait3A_165 : memref<1x128x128xf32, #tpu.memory_space<vmem>> -> memref<128x128xf32, #tpu.memory_space<vmem>>
      %dma_wait3A_167 = arith.constant 0 : i32
      %dma_wait3A_168 = tpu.memref_slice %arg8[%add3A_158, %dma_wait3A_167] : memref<16x128xi32, #tpu.memory_space<vmem>> -> memref<1x128xi32, #tpu.memory_space<vmem>>
      %dma_wait3A_169 = tpu.memref_squeeze %dma_wait3A_168 : memref<1x128xi32, #tpu.memory_space<vmem>> -> memref<128xi32, #tpu.memory_space<vmem>>
      %dma_wait3A_170 = arith.constant 0 : i32
      %dma_wait3A_171 = arith.constant 0 : i32
      %dma_wait3A_172 = tpu.memref_slice %arg4[%dma_wait3A_170, %dma_wait3A_171] : memref<1024x128xf32, #tpu.memory_space<hbm>> -> memref<1024x128xf32, #tpu.memory_space<hbm>>
      tpu.wait_indirect_dma semaphore(%arg11 : memref<!tpu.dma_semaphore, #tpu.memory_space<semaphore_mem>>) src(%dma_wait3A_172 : memref<1024x128xf32, #tpu.memory_space<hbm>>) dst(%dma_wait3A_166 : memref<128x128xf32, #tpu.memory_space<vmem>>)
      %dma_start3A_173 = arith.constant 1 : i32
      %dma_start3A_174 = arith.constant 0 : i32
      %dma_start3A_175 = arith.constant 0 : i32
      %dma_start3A_176 = tpu.memref_slice %arg9[%dma_start3A_173, %dma_start3A_174, %dma_start3A_175] : memref<4x128x128xf32, #tpu.memory_space<vmem>> -> memref<1x128x128xf32, #tpu.memory_space<vmem>>
      %dma_start3A_177 = tpu.memref_squeeze %dma_start3A_176 : memref<1x128x128xf32, #tpu.memory_space<vmem>> -> memref<128x128xf32, #tpu.memory_space<vmem>>
      %dma_start3A_178 = arith.constant 0 : i32
      %dma_start3A_179 = tpu.memref_slice %arg5[%add3A_161, %dma_start3A_178] : memref<65536x128xf32, #tpu.memory_space<hbm>> -> memref<128x128xf32, #tpu.memory_space<hbm>>
      %dma_start3A_180 = arith.constant 0 : i32
      %dma_start3A_181 = tpu.memref_slice %arg5[%add3A_161, %dma_start3A_180] : memref<65536x128xf32, #tpu.memory_space<hbm>> -> memref<128x128xf32, #tpu.memory_space<hbm>>
      %dma_start3A_182 = arith.constant 0 : i32
      %dma_start3A_183 = arith.constant 0 : i32
      %dma_start3A_184 = tpu.memref_slice %arg9[%dma_start3A_173, %dma_start3A_182, %dma_start3A_183] : memref<4x128x128xf32, #tpu.memory_space<vmem>> -> memref<1x128x128xf32, #tpu.memory_space<vmem>>
      %dma_start3A_185 = tpu.memref_squeeze %dma_start3A_184 : memref<1x128x128xf32, #tpu.memory_space<vmem>> -> memref<128x128xf32, #tpu.memory_space<vmem>>
      tpu.enqueue_dma source(%dma_start3A_185 : memref<128x128xf32, #tpu.memory_space<vmem>>) target(%dma_start3A_181 : memref<128x128xf32, #tpu.memory_space<hbm>>) target_semaphore(%arg15 : memref<!tpu.dma_semaphore, #tpu.memory_space<semaphore_mem>>)
      %lt3A_186 = arith.constant 3 : i32
      %lt3A_187 = arith.cmpi slt, %scan3A_120, %lt3A_186 : i32
      %convert_element_type3A_188 = arith.extui %lt3A_187 : i1 to i32
      %cond3A_189 = arith.constant 1 : i32
      %cond3A_190 = arith.constant 0 : i32
      %cond3A_191 = arith.cmpi ne, %convert_element_type3A_188, %cond3A_190 : i32
      scf.if %cond3A_191 {
        %dma_wait3A_266 = arith.constant 0 : i32
        %dma_wait3A_267 = arith.constant 0 : i32
        %dma_wait3A_268 = tpu.memref_slice %arg9[%cond3A_189, %dma_wait3A_266, %dma_wait3A_267] : memref<4x128x128xf32, #tpu.memory_space<vmem>> -> memref<1x128x128xf32, #tpu.memory_space<vmem>>
        %dma_wait3A_269 = tpu.memref_squeeze %dma_wait3A_268 : memref<1x128x128xf32, #tpu.memory_space<vmem>> -> memref<128x128xf32, #tpu.memory_space<vmem>>
        %dma_wait3A_270 = arith.constant 0 : i32
        %dma_wait3A_271 = tpu.memref_slice %arg5[%add3A_161, %dma_wait3A_270] : memref<65536x128xf32, #tpu.memory_space<hbm>> -> memref<128x128xf32, #tpu.memory_space<hbm>>
        %dma_wait3A_272 = arith.constant 0 : i32
        %dma_wait3A_273 = tpu.memref_slice %arg5[%add3A_161, %dma_wait3A_272] : memref<65536x128xf32, #tpu.memory_space<hbm>> -> memref<128x128xf32, #tpu.memory_space<hbm>>
        %dma_wait3A_274 = arith.constant 0 : i32
        %dma_wait3A_275 = arith.constant 0 : i32
        %dma_wait3A_276 = tpu.memref_slice %arg9[%cond3A_189, %dma_wait3A_274, %dma_wait3A_275] : memref<4x128x128xf32, #tpu.memory_space<vmem>> -> memref<1x128x128xf32, #tpu.memory_space<vmem>>
        %dma_wait3A_277 = tpu.memref_squeeze %dma_wait3A_276 : memref<1x128x128xf32, #tpu.memory_space<vmem>> -> memref<128x128xf32, #tpu.memory_space<vmem>>
        tpu.wait_dma2 semaphore(%arg15 : memref<!tpu.dma_semaphore, #tpu.memory_space<semaphore_mem>>) src(%dma_wait3A_277 : memref<128x128xf32, #tpu.memory_space<vmem>>) dst(%dma_wait3A_273 : memref<128x128xf32, #tpu.memory_space<hbm>>)
        %add3A_278 = arith.constant 4 : i32
        %add3A_279 = arith.addi %add3A_158, %add3A_278 : i32
        %dma_start3A_280 = arith.constant 1 : i32
        %dma_start3A_281 = arith.constant 0 : i32
        %dma_start3A_282 = arith.constant 0 : i32
        %dma_start3A_283 = tpu.memref_slice %arg9[%dma_start3A_280, %dma_start3A_281, %dma_start3A_282] : memref<4x128x128xf32, #tpu.memory_space<vmem>> -> memref<1x128x128xf32, #tpu.memory_space<vmem>>
        %dma_start3A_284 = tpu.memref_squeeze %dma_start3A_283 : memref<1x128x128xf32, #tpu.memory_space<vmem>> -> memref<128x128xf32, #tpu.memory_space<vmem>>
        %dma_start3A_285 = arith.constant 0 : i32
        %dma_start3A_286 = tpu.memref_slice %arg8[%add3A_279, %dma_start3A_285] : memref<16x128xi32, #tpu.memory_space<vmem>> -> memref<1x128xi32, #tpu.memory_space<vmem>>
        %dma_start3A_287 = tpu.memref_squeeze %dma_start3A_286 : memref<1x128xi32, #tpu.memory_space<vmem>> -> memref<128xi32, #tpu.memory_space<vmem>>
        %dma_start3A_288 = arith.constant 0 : i32
        %dma_start3A_289 = arith.constant 0 : i32
        %dma_start3A_290 = tpu.memref_slice %arg4[%dma_start3A_288, %dma_start3A_289] : memref<1024x128xf32, #tpu.memory_space<hbm>> -> memref<1024x128xf32, #tpu.memory_space<hbm>>
        tpu.enqueue_indirect_dma source(%dma_start3A_290 : memref<1024x128xf32, #tpu.memory_space<hbm>>) target(%dma_start3A_284 : memref<128x128xf32, #tpu.memory_space<vmem>>) offsets(%dma_start3A_287 : memref<128xi32, #tpu.memory_space<vmem>>) semaphore(%arg11 : memref<!tpu.dma_semaphore, #tpu.memory_space<semaphore_mem>>)
      } else {
      }
      %mul3A_192 = arith.constant 4 : i32
      %mul3A_193 = arith.muli %scan3A_120, %mul3A_192 : i32
      %add3A_194 = arith.constant 2 : i32
      %add3A_195 = arith.addi %mul3A_193, %add3A_194 : i32
      %mul3A_196 = arith.constant 128 : i32
      %mul3A_197 = arith.muli %add3A_195, %mul3A_196 : i32
      %add3A_198 = arith.addi %mul3A_2, %mul3A_197 : i32
      %dma_wait3A_199 = arith.constant 2 : i32
      %dma_wait3A_200 = arith.constant 0 : i32
      %dma_wait3A_201 = arith.constant 0 : i32
      %dma_wait3A_202 = tpu.memref_slice %arg9[%dma_wait3A_199, %dma_wait3A_200, %dma_wait3A_201] : memref<4x128x128xf32, #tpu.memory_space<vmem>> -> memref<1x128x128xf32, #tpu.memory_space<vmem>>
      %dma_wait3A_203 = tpu.memref_squeeze %dma_wait3A_202 : memref<1x128x128xf32, #tpu.memory_space<vmem>> -> memref<128x128xf32, #tpu.memory_space<vmem>>
      %dma_wait3A_204 = arith.constant 0 : i32
      %dma_wait3A_205 = tpu.memref_slice %arg8[%add3A_195, %dma_wait3A_204] : memref<16x128xi32, #tpu.memory_space<vmem>> -> memref<1x128xi32, #tpu.memory_space<vmem>>
      %dma_wait3A_206 = tpu.memref_squeeze %dma_wait3A_205 : memref<1x128xi32, #tpu.memory_space<vmem>> -> memref<128xi32, #tpu.memory_space<vmem>>
      %dma_wait3A_207 = arith.constant 0 : i32
      %dma_wait3A_208 = arith.constant 0 : i32
      %dma_wait3A_209 = tpu.memref_slice %arg4[%dma_wait3A_207, %dma_wait3A_208] : memref<1024x128xf32, #tpu.memory_space<hbm>> -> memref<1024x128xf32, #tpu.memory_space<hbm>>
      tpu.wait_indirect_dma semaphore(%arg12 : memref<!tpu.dma_semaphore, #tpu.memory_space<semaphore_mem>>) src(%dma_wait3A_209 : memref<1024x128xf32, #tpu.memory_space<hbm>>) dst(%dma_wait3A_203 : memref<128x128xf32, #tpu.memory_space<vmem>>)
      %dma_start3A_210 = arith.constant 2 : i32
      %dma_start3A_211 = arith.constant 0 : i32
      %dma_start3A_212 = arith.constant 0 : i32
      %dma_start3A_213 = tpu.memref_slice %arg9[%dma_start3A_210, %dma_start3A_211, %dma_start3A_212] : memref<4x128x128xf32, #tpu.memory_space<vmem>> -> memref<1x128x128xf32, #tpu.memory_space<vmem>>
      %dma_start3A_214 = tpu.memref_squeeze %dma_start3A_213 : memref<1x128x128xf32, #tpu.memory_space<vmem>> -> memref<128x128xf32, #tpu.memory_space<vmem>>
      %dma_start3A_215 = arith.constant 0 : i32
      %dma_start3A_216 = tpu.memref_slice %arg5[%add3A_198, %dma_start3A_215] : memref<65536x128xf32, #tpu.memory_space<hbm>> -> memref<128x128xf32, #tpu.memory_space<hbm>>
      %dma_start3A_217 = arith.constant 0 : i32
      %dma_start3A_218 = tpu.memref_slice %arg5[%add3A_198, %dma_start3A_217] : memref<65536x128xf32, #tpu.memory_space<hbm>> -> memref<128x128xf32, #tpu.memory_space<hbm>>
      %dma_start3A_219 = arith.constant 0 : i32
      %dma_start3A_220 = arith.constant 0 : i32
      %dma_start3A_221 = tpu.memref_slice %arg9[%dma_start3A_210, %dma_start3A_219, %dma_start3A_220] : memref<4x128x128xf32, #tpu.memory_space<vmem>> -> memref<1x128x128xf32, #tpu.memory_space<vmem>>
      %dma_start3A_222 = tpu.memref_squeeze %dma_start3A_221 : memref<1x128x128xf32, #tpu.memory_space<vmem>> -> memref<128x128xf32, #tpu.memory_space<vmem>>
      tpu.enqueue_dma source(%dma_start3A_222 : memref<128x128xf32, #tpu.memory_space<vmem>>) target(%dma_start3A_218 : memref<128x128xf32, #tpu.memory_space<hbm>>) target_semaphore(%arg16 : memref<!tpu.dma_semaphore, #tpu.memory_space<semaphore_mem>>)
      %lt3A_223 = arith.constant 3 : i32
      %lt3A_224 = arith.cmpi slt, %scan3A_120, %lt3A_223 : i32
      %convert_element_type3A_225 = arith.extui %lt3A_224 : i1 to i32
      %cond3A_226 = arith.constant 2 : i32
      %cond3A_227 = arith.constant 0 : i32
      %cond3A_228 = arith.cmpi ne, %convert_element_type3A_225, %cond3A_227 : i32
      scf.if %cond3A_228 {
        %dma_wait3A_266 = arith.constant 0 : i32
        %dma_wait3A_267 = arith.constant 0 : i32
        %dma_wait3A_268 = tpu.memref_slice %arg9[%cond3A_226, %dma_wait3A_266, %dma_wait3A_267] : memref<4x128x128xf32, #tpu.memory_space<vmem>> -> memref<1x128x128xf32, #tpu.memory_space<vmem>>
        %dma_wait3A_269 = tpu.memref_squeeze %dma_wait3A_268 : memref<1x128x128xf32, #tpu.memory_space<vmem>> -> memref<128x128xf32, #tpu.memory_space<vmem>>
        %dma_wait3A_270 = arith.constant 0 : i32
        %dma_wait3A_271 = tpu.memref_slice %arg5[%add3A_198, %dma_wait3A_270] : memref<65536x128xf32, #tpu.memory_space<hbm>> -> memref<128x128xf32, #tpu.memory_space<hbm>>
        %dma_wait3A_272 = arith.constant 0 : i32
        %dma_wait3A_273 = tpu.memref_slice %arg5[%add3A_198, %dma_wait3A_272] : memref<65536x128xf32, #tpu.memory_space<hbm>> -> memref<128x128xf32, #tpu.memory_space<hbm>>
        %dma_wait3A_274 = arith.constant 0 : i32
        %dma_wait3A_275 = arith.constant 0 : i32
        %dma_wait3A_276 = tpu.memref_slice %arg9[%cond3A_226, %dma_wait3A_274, %dma_wait3A_275] : memref<4x128x128xf32, #tpu.memory_space<vmem>> -> memref<1x128x128xf32, #tpu.memory_space<vmem>>
        %dma_wait3A_277 = tpu.memref_squeeze %dma_wait3A_276 : memref<1x128x128xf32, #tpu.memory_space<vmem>> -> memref<128x128xf32, #tpu.memory_space<vmem>>
        tpu.wait_dma2 semaphore(%arg16 : memref<!tpu.dma_semaphore, #tpu.memory_space<semaphore_mem>>) src(%dma_wait3A_277 : memref<128x128xf32, #tpu.memory_space<vmem>>) dst(%dma_wait3A_273 : memref<128x128xf32, #tpu.memory_space<hbm>>)
        %add3A_278 = arith.constant 4 : i32
        %add3A_279 = arith.addi %add3A_195, %add3A_278 : i32
        %dma_start3A_280 = arith.constant 2 : i32
        %dma_start3A_281 = arith.constant 0 : i32
        %dma_start3A_282 = arith.constant 0 : i32
        %dma_start3A_283 = tpu.memref_slice %arg9[%dma_start3A_280, %dma_start3A_281, %dma_start3A_282] : memref<4x128x128xf32, #tpu.memory_space<vmem>> -> memref<1x128x128xf32, #tpu.memory_space<vmem>>
        %dma_start3A_284 = tpu.memref_squeeze %dma_start3A_283 : memref<1x128x128xf32, #tpu.memory_space<vmem>> -> memref<128x128xf32, #tpu.memory_space<vmem>>
        %dma_start3A_285 = arith.constant 0 : i32
        %dma_start3A_286 = tpu.memref_slice %arg8[%add3A_279, %dma_start3A_285] : memref<16x128xi32, #tpu.memory_space<vmem>> -> memref<1x128xi32, #tpu.memory_space<vmem>>
        %dma_start3A_287 = tpu.memref_squeeze %dma_start3A_286 : memref<1x128xi32, #tpu.memory_space<vmem>> -> memref<128xi32, #tpu.memory_space<vmem>>
        %dma_start3A_288 = arith.constant 0 : i32
        %dma_start3A_289 = arith.constant 0 : i32
        %dma_start3A_290 = tpu.memref_slice %arg4[%dma_start3A_288, %dma_start3A_289] : memref<1024x128xf32, #tpu.memory_space<hbm>> -> memref<1024x128xf32, #tpu.memory_space<hbm>>
        tpu.enqueue_indirect_dma source(%dma_start3A_290 : memref<1024x128xf32, #tpu.memory_space<hbm>>) target(%dma_start3A_284 : memref<128x128xf32, #tpu.memory_space<vmem>>) offsets(%dma_start3A_287 : memref<128xi32, #tpu.memory_space<vmem>>) semaphore(%arg12 : memref<!tpu.dma_semaphore, #tpu.memory_space<semaphore_mem>>)
      } else {
      }
      %mul3A_229 = arith.constant 4 : i32
      %mul3A_230 = arith.muli %scan3A_120, %mul3A_229 : i32
      %add3A_231 = arith.constant 3 : i32
      %add3A_232 = arith.addi %mul3A_230, %add3A_231 : i32
      %mul3A_233 = arith.constant 128 : i32
      %mul3A_234 = arith.muli %add3A_232, %mul3A_233 : i32
      %add3A_235 = arith.addi %mul3A_2, %mul3A_234 : i32
      %dma_wait3A_236 = arith.constant 3 : i32
      %dma_wait3A_237 = arith.constant 0 : i32
      %dma_wait3A_238 = arith.constant 0 : i32
      %dma_wait3A_239 = tpu.memref_slice %arg9[%dma_wait3A_236, %dma_wait3A_237, %dma_wait3A_238] : memref<4x128x128xf32, #tpu.memory_space<vmem>> -> memref<1x128x128xf32, #tpu.memory_space<vmem>>
      %dma_wait3A_240 = tpu.memref_squeeze %dma_wait3A_239 : memref<1x128x128xf32, #tpu.memory_space<vmem>> -> memref<128x128xf32, #tpu.memory_space<vmem>>
      %dma_wait3A_241 = arith.constant 0 : i32
      %dma_wait3A_242 = tpu.memref_slice %arg8[%add3A_232, %dma_wait3A_241] : memref<16x128xi32, #tpu.memory_space<vmem>> -> memref<1x128xi32, #tpu.memory_space<vmem>>
      %dma_wait3A_243 = tpu.memref_squeeze %dma_wait3A_242 : memref<1x128xi32, #tpu.memory_space<vmem>> -> memref<128xi32, #tpu.memory_space<vmem>>
      %dma_wait3A_244 = arith.constant 0 : i32
      %dma_wait3A_245 = arith.constant 0 : i32
      %dma_wait3A_246 = tpu.memref_slice %arg4[%dma_wait3A_244, %dma_wait3A_245] : memref<1024x128xf32, #tpu.memory_space<hbm>> -> memref<1024x128xf32, #tpu.memory_space<hbm>>
      tpu.wait_indirect_dma semaphore(%arg13 : memref<!tpu.dma_semaphore, #tpu.memory_space<semaphore_mem>>) src(%dma_wait3A_246 : memref<1024x128xf32, #tpu.memory_space<hbm>>) dst(%dma_wait3A_240 : memref<128x128xf32, #tpu.memory_space<vmem>>)
      %dma_start3A_247 = arith.constant 3 : i32
      %dma_start3A_248 = arith.constant 0 : i32
      %dma_start3A_249 = arith.constant 0 : i32
      %dma_start3A_250 = tpu.memref_slice %arg9[%dma_start3A_247, %dma_start3A_248, %dma_start3A_249] : memref<4x128x128xf32, #tpu.memory_space<vmem>> -> memref<1x128x128xf32, #tpu.memory_space<vmem>>
      %dma_start3A_251 = tpu.memref_squeeze %dma_start3A_250 : memref<1x128x128xf32, #tpu.memory_space<vmem>> -> memref<128x128xf32, #tpu.memory_space<vmem>>
      %dma_start3A_252 = arith.constant 0 : i32
      %dma_start3A_253 = tpu.memref_slice %arg5[%add3A_235, %dma_start3A_252] : memref<65536x128xf32, #tpu.memory_space<hbm>> -> memref<128x128xf32, #tpu.memory_space<hbm>>
      %dma_start3A_254 = arith.constant 0 : i32
      %dma_start3A_255 = tpu.memref_slice %arg5[%add3A_235, %dma_start3A_254] : memref<65536x128xf32, #tpu.memory_space<hbm>> -> memref<128x128xf32, #tpu.memory_space<hbm>>
      %dma_start3A_256 = arith.constant 0 : i32
      %dma_start3A_257 = arith.constant 0 : i32
      %dma_start3A_258 = tpu.memref_slice %arg9[%dma_start3A_247, %dma_start3A_256, %dma_start3A_257] : memref<4x128x128xf32, #tpu.memory_space<vmem>> -> memref<1x128x128xf32, #tpu.memory_space<vmem>>
      %dma_start3A_259 = tpu.memref_squeeze %dma_start3A_258 : memref<1x128x128xf32, #tpu.memory_space<vmem>> -> memref<128x128xf32, #tpu.memory_space<vmem>>
      tpu.enqueue_dma source(%dma_start3A_259 : memref<128x128xf32, #tpu.memory_space<vmem>>) target(%dma_start3A_255 : memref<128x128xf32, #tpu.memory_space<hbm>>) target_semaphore(%arg17 : memref<!tpu.dma_semaphore, #tpu.memory_space<semaphore_mem>>)
      %lt3A_260 = arith.constant 3 : i32
      %lt3A_261 = arith.cmpi slt, %scan3A_120, %lt3A_260 : i32
      %convert_element_type3A_262 = arith.extui %lt3A_261 : i1 to i32
      %cond3A_263 = arith.constant 3 : i32
      %cond3A_264 = arith.constant 0 : i32
      %cond3A_265 = arith.cmpi ne, %convert_element_type3A_262, %cond3A_264 : i32
      scf.if %cond3A_265 {
        %dma_wait3A_266 = arith.constant 0 : i32
        %dma_wait3A_267 = arith.constant 0 : i32
        %dma_wait3A_268 = tpu.memref_slice %arg9[%cond3A_263, %dma_wait3A_266, %dma_wait3A_267] : memref<4x128x128xf32, #tpu.memory_space<vmem>> -> memref<1x128x128xf32, #tpu.memory_space<vmem>>
        %dma_wait3A_269 = tpu.memref_squeeze %dma_wait3A_268 : memref<1x128x128xf32, #tpu.memory_space<vmem>> -> memref<128x128xf32, #tpu.memory_space<vmem>>
        %dma_wait3A_270 = arith.constant 0 : i32
        %dma_wait3A_271 = tpu.memref_slice %arg5[%add3A_235, %dma_wait3A_270] : memref<65536x128xf32, #tpu.memory_space<hbm>> -> memref<128x128xf32, #tpu.memory_space<hbm>>
        %dma_wait3A_272 = arith.constant 0 : i32
        %dma_wait3A_273 = tpu.memref_slice %arg5[%add3A_235, %dma_wait3A_272] : memref<65536x128xf32, #tpu.memory_space<hbm>> -> memref<128x128xf32, #tpu.memory_space<hbm>>
        %dma_wait3A_274 = arith.constant 0 : i32
        %dma_wait3A_275 = arith.constant 0 : i32
        %dma_wait3A_276 = tpu.memref_slice %arg9[%cond3A_263, %dma_wait3A_274, %dma_wait3A_275] : memref<4x128x128xf32, #tpu.memory_space<vmem>> -> memref<1x128x128xf32, #tpu.memory_space<vmem>>
        %dma_wait3A_277 = tpu.memref_squeeze %dma_wait3A_276 : memref<1x128x128xf32, #tpu.memory_space<vmem>> -> memref<128x128xf32, #tpu.memory_space<vmem>>
        tpu.wait_dma2 semaphore(%arg17 : memref<!tpu.dma_semaphore, #tpu.memory_space<semaphore_mem>>) src(%dma_wait3A_277 : memref<128x128xf32, #tpu.memory_space<vmem>>) dst(%dma_wait3A_273 : memref<128x128xf32, #tpu.memory_space<hbm>>)
        %add3A_278 = arith.constant 4 : i32
        %add3A_279 = arith.addi %add3A_232, %add3A_278 : i32
        %dma_start3A_280 = arith.constant 3 : i32
        %dma_start3A_281 = arith.constant 0 : i32
        %dma_start3A_282 = arith.constant 0 : i32
        %dma_start3A_283 = tpu.memref_slice %arg9[%dma_start3A_280, %dma_start3A_281, %dma_start3A_282] : memref<4x128x128xf32, #tpu.memory_space<vmem>> -> memref<1x128x128xf32, #tpu.memory_space<vmem>>
        %dma_start3A_284 = tpu.memref_squeeze %dma_start3A_283 : memref<1x128x128xf32, #tpu.memory_space<vmem>> -> memref<128x128xf32, #tpu.memory_space<vmem>>
        %dma_start3A_285 = arith.constant 0 : i32
        %dma_start3A_286 = tpu.memref_slice %arg8[%add3A_279, %dma_start3A_285] : memref<16x128xi32, #tpu.memory_space<vmem>> -> memref<1x128xi32, #tpu.memory_space<vmem>>
        %dma_start3A_287 = tpu.memref_squeeze %dma_start3A_286 : memref<1x128xi32, #tpu.memory_space<vmem>> -> memref<128xi32, #tpu.memory_space<vmem>>
        %dma_start3A_288 = arith.constant 0 : i32
        %dma_start3A_289 = arith.constant 0 : i32
        %dma_start3A_290 = tpu.memref_slice %arg4[%dma_start3A_288, %dma_start3A_289] : memref<1024x128xf32, #tpu.memory_space<hbm>> -> memref<1024x128xf32, #tpu.memory_space<hbm>>
        tpu.enqueue_indirect_dma source(%dma_start3A_290 : memref<1024x128xf32, #tpu.memory_space<hbm>>) target(%dma_start3A_284 : memref<128x128xf32, #tpu.memory_space<vmem>>) offsets(%dma_start3A_287 : memref<128xi32, #tpu.memory_space<vmem>>) semaphore(%arg13 : memref<!tpu.dma_semaphore, #tpu.memory_space<semaphore_mem>>)
      } else {
      }
    }
    %scan3A_60 = arith.constant 4 : i32
    %add3A_61 = arith.constant 1536 : i32
    %add3A_62 = arith.addi %mul3A_2, %add3A_61 : i32
    %dma_wait3A = arith.constant 0 : i32
    %dma_wait3A_63 = arith.constant 0 : i32
    %dma_wait3A_64 = arith.constant 0 : i32
    %dma_wait3A_65 = tpu.memref_slice %arg9[%dma_wait3A, %dma_wait3A_63, %dma_wait3A_64] : memref<4x128x128xf32, #tpu.memory_space<vmem>> -> memref<1x128x128xf32, #tpu.memory_space<vmem>>
    %dma_wait3A_66 = tpu.memref_squeeze %dma_wait3A_65 : memref<1x128x128xf32, #tpu.memory_space<vmem>> -> memref<128x128xf32, #tpu.memory_space<vmem>>
    %dma_wait3A_67 = arith.constant 0 : i32
    %dma_wait3A_68 = tpu.memref_slice %arg5[%add3A_62, %dma_wait3A_67] : memref<65536x128xf32, #tpu.memory_space<hbm>> -> memref<128x128xf32, #tpu.memory_space<hbm>>
    %dma_wait3A_69 = arith.constant 0 : i32
    %dma_wait3A_70 = tpu.memref_slice %arg5[%add3A_62, %dma_wait3A_69] : memref<65536x128xf32, #tpu.memory_space<hbm>> -> memref<128x128xf32, #tpu.memory_space<hbm>>
    %dma_wait3A_71 = arith.constant 0 : i32
    %dma_wait3A_72 = arith.constant 0 : i32
    %dma_wait3A_73 = tpu.memref_slice %arg9[%dma_wait3A, %dma_wait3A_71, %dma_wait3A_72] : memref<4x128x128xf32, #tpu.memory_space<vmem>> -> memref<1x128x128xf32, #tpu.memory_space<vmem>>
    %dma_wait3A_74 = tpu.memref_squeeze %dma_wait3A_73 : memref<1x128x128xf32, #tpu.memory_space<vmem>> -> memref<128x128xf32, #tpu.memory_space<vmem>>
    tpu.wait_dma2 semaphore(%arg14 : memref<!tpu.dma_semaphore, #tpu.memory_space<semaphore_mem>>) src(%dma_wait3A_74 : memref<128x128xf32, #tpu.memory_space<vmem>>) dst(%dma_wait3A_70 : memref<128x128xf32, #tpu.memory_space<hbm>>)
    %add3A_75 = arith.constant 1664 : i32
    %add3A_76 = arith.addi %mul3A_2, %add3A_75 : i32
    %dma_wait3A_77 = arith.constant 1 : i32
    %dma_wait3A_78 = arith.constant 0 : i32
    %dma_wait3A_79 = arith.constant 0 : i32
    %dma_wait3A_80 = tpu.memref_slice %arg9[%dma_wait3A_77, %dma_wait3A_78, %dma_wait3A_79] : memref<4x128x128xf32, #tpu.memory_space<vmem>> -> memref<1x128x128xf32, #tpu.memory_space<vmem>>
    %dma_wait3A_81 = tpu.memref_squeeze %dma_wait3A_80 : memref<1x128x128xf32, #tpu.memory_space<vmem>> -> memref<128x128xf32, #tpu.memory_space<vmem>>
    %dma_wait3A_82 = arith.constant 0 : i32
    %dma_wait3A_83 = tpu.memref_slice %arg5[%add3A_76, %dma_wait3A_82] : memref<65536x128xf32, #tpu.memory_space<hbm>> -> memref<128x128xf32, #tpu.memory_space<hbm>>
    %dma_wait3A_84 = arith.constant 0 : i32
    %dma_wait3A_85 = tpu.memref_slice %arg5[%add3A_76, %dma_wait3A_84] : memref<65536x128xf32, #tpu.memory_space<hbm>> -> memref<128x128xf32, #tpu.memory_space<hbm>>
    %dma_wait3A_86 = arith.constant 0 : i32
    %dma_wait3A_87 = arith.constant 0 : i32
    %dma_wait3A_88 = tpu.memref_slice %arg9[%dma_wait3A_77, %dma_wait3A_86, %dma_wait3A_87] : memref<4x128x128xf32, #tpu.memory_space<vmem>> -> memref<1x128x128xf32, #tpu.memory_space<vmem>>
    %dma_wait3A_89 = tpu.memref_squeeze %dma_wait3A_88 : memref<1x128x128xf32, #tpu.memory_space<vmem>> -> memref<128x128xf32, #tpu.memory_space<vmem>>
    tpu.wait_dma2 semaphore(%arg15 : memref<!tpu.dma_semaphore, #tpu.memory_space<semaphore_mem>>) src(%dma_wait3A_89 : memref<128x128xf32, #tpu.memory_space<vmem>>) dst(%dma_wait3A_85 : memref<128x128xf32, #tpu.memory_space<hbm>>)
    %add3A_90 = arith.constant 1792 : i32
    %add3A_91 = arith.addi %mul3A_2, %add3A_90 : i32
    %dma_wait3A_92 = arith.constant 2 : i32
    %dma_wait3A_93 = arith.constant 0 : i32
    %dma_wait3A_94 = arith.constant 0 : i32
    %dma_wait3A_95 = tpu.memref_slice %arg9[%dma_wait3A_92, %dma_wait3A_93, %dma_wait3A_94] : memref<4x128x128xf32, #tpu.memory_space<vmem>> -> memref<1x128x128xf32, #tpu.memory_space<vmem>>
    %dma_wait3A_96 = tpu.memref_squeeze %dma_wait3A_95 : memref<1x128x128xf32, #tpu.memory_space<vmem>> -> memref<128x128xf32, #tpu.memory_space<vmem>>
    %dma_wait3A_97 = arith.constant 0 : i32
    %dma_wait3A_98 = tpu.memref_slice %arg5[%add3A_91, %dma_wait3A_97] : memref<65536x128xf32, #tpu.memory_space<hbm>> -> memref<128x128xf32, #tpu.memory_space<hbm>>
    %dma_wait3A_99 = arith.constant 0 : i32
    %dma_wait3A_100 = tpu.memref_slice %arg5[%add3A_91, %dma_wait3A_99] : memref<65536x128xf32, #tpu.memory_space<hbm>> -> memref<128x128xf32, #tpu.memory_space<hbm>>
    %dma_wait3A_101 = arith.constant 0 : i32
    %dma_wait3A_102 = arith.constant 0 : i32
    %dma_wait3A_103 = tpu.memref_slice %arg9[%dma_wait3A_92, %dma_wait3A_101, %dma_wait3A_102] : memref<4x128x128xf32, #tpu.memory_space<vmem>> -> memref<1x128x128xf32, #tpu.memory_space<vmem>>
    %dma_wait3A_104 = tpu.memref_squeeze %dma_wait3A_103 : memref<1x128x128xf32, #tpu.memory_space<vmem>> -> memref<128x128xf32, #tpu.memory_space<vmem>>
    tpu.wait_dma2 semaphore(%arg16 : memref<!tpu.dma_semaphore, #tpu.memory_space<semaphore_mem>>) src(%dma_wait3A_104 : memref<128x128xf32, #tpu.memory_space<vmem>>) dst(%dma_wait3A_100 : memref<128x128xf32, #tpu.memory_space<hbm>>)
    %add3A_105 = arith.constant 1920 : i32
    %add3A_106 = arith.addi %mul3A_2, %add3A_105 : i32
    %dma_wait3A_107 = arith.constant 3 : i32
    %dma_wait3A_108 = arith.constant 0 : i32
    %dma_wait3A_109 = arith.constant 0 : i32
    %dma_wait3A_110 = tpu.memref_slice %arg9[%dma_wait3A_107, %dma_wait3A_108, %dma_wait3A_109] : memref<4x128x128xf32, #tpu.memory_space<vmem>> -> memref<1x128x128xf32, #tpu.memory_space<vmem>>
    %dma_wait3A_111 = tpu.memref_squeeze %dma_wait3A_110 : memref<1x128x128xf32, #tpu.memory_space<vmem>> -> memref<128x128xf32, #tpu.memory_space<vmem>>
    %dma_wait3A_112 = arith.constant 0 : i32
    %dma_wait3A_113 = tpu.memref_slice %arg5[%add3A_106, %dma_wait3A_112] : memref<65536x128xf32, #tpu.memory_space<hbm>> -> memref<128x128xf32, #tpu.memory_space<hbm>>
    %dma_wait3A_114 = arith.constant 0 : i32
    %dma_wait3A_115 = tpu.memref_slice %arg5[%add3A_106, %dma_wait3A_114] : memref<65536x128xf32, #tpu.memory_space<hbm>> -> memref<128x128xf32, #tpu.memory_space<hbm>>
    %dma_wait3A_116 = arith.constant 0 : i32
    %dma_wait3A_117 = arith.constant 0 : i32
    %dma_wait3A_118 = tpu.memref_slice %arg9[%dma_wait3A_107, %dma_wait3A_116, %dma_wait3A_117] : memref<4x128x128xf32, #tpu.memory_space<vmem>> -> memref<1x128x128xf32, #tpu.memory_space<vmem>>
    %dma_wait3A_119 = tpu.memref_squeeze %dma_wait3A_118 : memref<1x128x128xf32, #tpu.memory_space<vmem>> -> memref<128x128xf32, #tpu.memory_space<vmem>>
    tpu.wait_dma2 semaphore(%arg17 : memref<!tpu.dma_semaphore, #tpu.memory_space<semaphore_mem>>) src(%dma_wait3A_119 : memref<128x128xf32, #tpu.memory_space<vmem>>) dst(%dma_wait3A_115 : memref<128x128xf32, #tpu.memory_space<hbm>>)
    return
  }
}

module attributes {stable_mosaic.version = 14 : i64} {
  func.func @_tc_body(%arg0: i32, %arg1: memref<1x1024x128xf32, #tpu.memory_space<vmem>>, %arg2: memref<1x64x1024xf32, #tpu.memory_space<vmem>>, %arg3: memref<1x64x1024xf32, #tpu.memory_space<vmem>>) attributes {dimension_semantics = [#tpu.dimension_semantics<arbitrary>], iteration_bounds = array<i64: 64>, scalar_prefetch = 0 : i64, scratch_operands = 0 : i64, tpu.core_type = #tpu.core_type<tc>, window_params = [{transform_indices = @transform_0, window_bounds = array<i64: 1, 1024, 128>}, {transform_indices = @transform_1, window_bounds = array<i64: 1, 64, 1024>}, {transform_indices = @transform_2, window_bounds = array<i64: 1, 64, 1024>}]} {
    %get3A = arith.constant 0 : index
    %get3A_0 = arith.constant 0 : index
    %get3A_1 = arith.constant 0 : index
    %get3A_2 = vector.load %arg1[%get3A, %get3A_0, %get3A_1] : memref<1x1024x128xf32, #tpu.memory_space<vmem>>, vector<1x1024x128xf32>
    %get3A_3 = vector.shape_cast %get3A_2 : vector<1x1024x128xf32> to vector<1024x128xf32>
    %transpose3A = tpu.transpose %get3A_3, [1, 0] : vector<1024x128xf32> -> vector<128x1024xf32>
    %slice3A = vector.extract_strided_slice %transpose3A {offsets = [0, 0], sizes = [64, 1024], strides = [1, 1]} : vector<128x1024xf32> to vector<64x1024xf32>
    %swap3A = arith.constant 0 : index
    %swap3A_4 = arith.constant 0 : index
    %swap3A_5 = arith.constant 0 : index
    %swap3A_6 = vector.load %arg2[%swap3A, %swap3A_4, %swap3A_5] : memref<1x64x1024xf32, #tpu.memory_space<vmem>>, vector<1x64x1024xf32>
    %swap3A_7 = vector.shape_cast %swap3A_6 : vector<1x64x1024xf32> to vector<64x1024xf32>
    %swap3A_8 = vector.shape_cast %slice3A : vector<64x1024xf32> to vector<1x64x1024xf32>
    tpu.vector_store %arg2[%swap3A, %swap3A_4, %swap3A_5], %swap3A_8 {strides = array<i32>} : memref<1x64x1024xf32, #tpu.memory_space<vmem>>, vector<1x64x1024xf32>,
    %slice3A_9 = vector.extract_strided_slice %transpose3A {offsets = [64, 0], sizes = [64, 1024], strides = [1, 1]} : vector<128x1024xf32> to vector<64x1024xf32>
    %swap3A_10 = arith.constant 0 : index
    %swap3A_11 = arith.constant 0 : index
    %swap3A_12 = arith.constant 0 : index
    %swap3A_13 = vector.load %arg3[%swap3A_10, %swap3A_11, %swap3A_12] : memref<1x64x1024xf32, #tpu.memory_space<vmem>>, vector<1x64x1024xf32>
    %swap3A_14 = vector.shape_cast %swap3A_13 : vector<1x64x1024xf32> to vector<64x1024xf32>
    %swap3A_15 = vector.shape_cast %slice3A_9 : vector<64x1024xf32> to vector<1x64x1024xf32>
    tpu.vector_store %arg3[%swap3A_10, %swap3A_11, %swap3A_12], %swap3A_15 {strides = array<i32>} : memref<1x64x1024xf32, #tpu.memory_space<vmem>>, vector<1x64x1024xf32>,
    return
  }
  func.func @transform_0(%arg0: i32) -> (i32, i32, i32) {
    %c0_i32 = arith.constant 0 : i32
    %c0_i32_0 = arith.constant 0 : i32
    %c0_i32_1 = arith.constant 0 : i32
    return %arg0, %c0_i32, %c0_i32_0 : i32, i32, i32
  }
  func.func @transform_1(%arg0: i32) -> (i32, i32, i32) {
    %c0_i32 = arith.constant 0 : i32
    %c0_i32_0 = arith.constant 0 : i32
    %c0_i32_1 = arith.constant 0 : i32
    return %arg0, %c0_i32, %c0_i32_0 : i32, i32, i32
  }
  func.func @transform_2(%arg0: i32) -> (i32, i32, i32) {
    %c0_i32 = arith.constant 0 : i32
    %c0_i32_0 = arith.constant 0 : i32
    %c0_i32_1 = arith.constant 0 : i32
    return %arg0, %c0_i32, %c0_i32_0 : i32, i32, i32
  }
}

</mosaic_0001>

<sc_bundles>
// kernel: _rope_sc.4.cloned.1.call-start
scs
__scs_entry_jumppad:
0x0: {  	(pc) =	sbr.rel $0x88, $3  }
0x1: {  	(tag) =	ssettag $0x0;
	lr =	simm.s32 $0x1  }
0x2: {  	[smem:$0x3F9C] =	sst lr;
	_ =	strace $0xD0000000  }
0x3: {  	_ = 	snop  }
0x4: {  	_ = 	snop  }
0x5: {  	_ = 	snop  }
0x6: {  	_ = 	snop  }
0x7: {  	_ = 	snop  }
__scs_overlays_trampoline_lowered:
0x8: {  	[smem:$0x3FAB] =	sst s0  }
0x9: {  	[smem:$0x3FAC] =	sst s1  }
0xa: {  	[smem:$0x3FAD] =	sst s2  }
0xb: {  	[smem:$0x3FAE] =	sst s3  }
0xc: {  	[smem:$0x3FAF] =	sst s4  }
0xd: {  	[smem:$0x3FB0] =	sst s5  }
0xe: {  	[smem:$0x3FB1] =	sst s6  }
0xf: {  	[smem:$0x3FB2] =	sst s7  }
0x10: {  	[smem:$0x3FB3] =	sst s8  }
0x11: {  	[smem:$0x3FB4] =	sst s9;
	s0 =	simm.s32 @!p0 $0x0  }
0x12: {  	s1 =	sld [smem:$0x3F9A];
	s0 =	simm.s32 @p0 $0x1  }
0x13: {  	[smem:$0x3FB5] =	sst s0;
	s0 =	simm.s32 @!p1 $0x0  }
0x14: {  	s2 =	sld [smem:$0x3F99];
	s0 =	simm.s32 @p1 $0x1  }
0x15: {  	[smem:$0x3FB6] =	sst s0;
	s0 =	simm.s32 @!p2 $0x0  }
0x16: {  	s3 =	sld [smem:$0x3FDB];
	s0 =	simm.s32 @p2 $0x1  }
0x17: {  	s4 =	simm.s32 $0x1BF5;
	[smem:$0x3FB8] =	sst s0  }
0x18: {  	s0 =	sld [smem:$0x3F9B];
	_ =	swait.ge [sflag:s4], $0x0  }
0x19: {  	s7 =	sld [smem:$0x3F9C]  }
0x1a: {  	s8 =	sadd.s32 $0xFFFFE003, lr  }
0x1b: {  	s9 =	sadd.s32 $0xFFFFFEF7, lr;
	s5 =	simm.s32 $0xFFFFFFFF;
	p2 =	slt.u32 s8, $0xFFFFF086  }
0x1c: {  	p1 =	slt.u32 s9, $0xF7A;
	s5 =	simm.s32 @!p2 $0x0  }
0x1d: {  	s5 =	simm.s32 @p1 $0x1;
	p0 =	seq.s32 s7, s2  }
0x1e: {  	s7 =	smul.u32 @!p0 $0xF7A, s2;
	p2 =	seq.s32 @!p0 s5, $0x0  }
0x1f: {  	s9 =	smul.u32 $0xF7A, s1;
	s8 =	simm.s32 @!p0 $0x1BF5;
	p2 =	por !p2, p0  }
0x20: {  	[sflag:s8] =	ssyncset.s32 @!p0 $0xFFFFF086;
	s6 =	sadd.s32 @!p0 s3, s7;
	s7 =	simm.s32 @!p0 $0x108  }
0x21: {  	s3 =	sadd.s32 s3, s9;
	s6 =	sadd.s32 @!p0 $0x88, s6;
	s7 =	simm.s32 @p2 $0x1082  }
0x22: {  	[simem:s7], [sflag:s8] =	dma.local @!p0 [hbm:s6], $0xF7A  }
0x23: {  	s9 =	sor.u32 $0xD0000000, s2;
	s6 =	simm.s32 $0x108;
	_ =	swait.ge @!p0 [sflag:s8], $0x0  }
0x24: {  	s3 =	sadd.s32 $0x88, s3;
	s6 =	simm.s32 @!p1 $0x1082;
	[sflag:s4] =	ssyncset.s32 $0xFFFFF086  }
0x25: {  	[simem:s6], [sflag:s4] =	dma.local [hbm:s3], $0xF7A  }
0x26: {  	[smem:$0x3F9C] =	sst s1;
	(tag) =	ssettag s2;
	_ =	strace s9  }
0x27: {  	s1 =	sld [smem:$0x3FAC]  }
0x28: {  	s2 =	sld [smem:$0x3FAD]  }
0x29: {  	s4 =	sld [smem:$0x3FAF]  }
0x2a: {  	p0 =	seq.s32 s5, $0x0;
	s5 =	sld [smem:$0x3FB0]  }
0x2b: {  	s6 =	sld [smem:$0x3FB1]  }
0x2c: {  	s7 =	sld [smem:$0x3FB2]  }
0x2d: {  	s3 =	simm.s32 $0x108;
	s8 =	sld [smem:$0x3FB3]  }
0x2e: {  	s3 =	simm.s32 @!p0 $0x1082;
	s9 =	sld [smem:$0x3FB4]  }
0x2f: {  	lr =	sadd.s32 s0, s3;
	s0 =	sld [smem:$0x3FAB]  }
0x30: {  	s3 =	sld [smem:$0x3FAE]  }
0x31: {  	[smem:$0x3FB7] =	sst s10  }
0x32: {  	s10 =	sld [smem:$0x3FB5];
	_ =	sdelay $0x3  }
0x33: {  	p0 =	seq.s32 s10, $0x1;
	s10 =	sld [smem:$0x3FB7];
	_ =	sdelay $0x3  }
0x34: {  	[smem:$0x3FB7] =	sst s10  }
0x35: {  	s10 =	sld [smem:$0x3FB6];
	_ =	sdelay $0x3  }
0x36: {  	p1 =	seq.s32 s10, $0x1;
	s10 =	sld [smem:$0x3FB7];
	_ =	sdelay $0x3  }
0x37: {  	[smem:$0x3FB7] =	sst s10  }
0x38: {  	s10 =	sld [smem:$0x3FB8]  }
0x39: {  	_ = 	snop;
	(pc) =	sbr.ind lr, $3  }
0x3a: {  	_ = 	snop  }
0x3b: {  	_ = 	snop  }
0x3c: {  	p2 =	seq.s32 s10, $0x1;
	s10 =	sld [smem:$0x3FB7]  }
0x3d: {  	_ =	shalt  }
0x3e: {  	_ =	shalt  }
0x3f: {  	_ =	shalt  }
0x40: {  	_ =	shalt  }
0x41: {  	_ =	shalt  }
0x42: {  	_ =	shalt  }
0x43: {  	_ =	shalt  }
0x44: {  	_ =	shalt  }
0x45: {  	_ =	shalt  }
0x46: {  	_ =	shalt  }
0x47: {  	_ =	shalt  }
0x48: {  	_ =	shalt  }
0x49: {  	_ =	shalt  }
0x4a: {  	_ =	shalt  }
0x4b: {  	_ =	shalt  }
0x4c: {  	_ =	shalt  }
0x4d: {  	_ =	shalt  }
0x4e: {  	_ =	shalt  }
0x4f: {  	_ =	shalt  }
0x50: {  	_ =	shalt  }
0x51: {  	_ =	shalt  }
0x52: {  	_ =	shalt  }
0x53: {  	_ =	shalt  }
0x54: {  	_ =	shalt  }
0x55: {  	_ =	shalt  }
0x56: {  	_ =	shalt  }
0x57: {  	_ =	shalt  }
0x58: {  	_ =	shalt  }
0x59: {  	_ =	shalt  }
0x5a: {  	_ =	shalt  }
0x5b: {  	_ =	shalt  }
0x5c: {  	_ =	shalt  }
0x5d: {  	_ =	shalt  }
0x5e: {  	_ =	shalt  }
0x5f: {  	_ =	shalt  }
0x60: {  	_ =	shalt  }
0x61: {  	_ =	shalt  }
0x62: {  	_ =	shalt  }
0x63: {  	_ =	shalt  }
0x64: {  	_ =	shalt  }
0x65: {  	_ =	shalt  }
0x66: {  	_ =	shalt  }
0x67: {  	_ =	shalt  }
0x68: {  	_ =	shalt  }
0x69: {  	_ =	shalt  }
0x6a: {  	_ =	shalt  }
0x6b: {  	_ =	shalt  }
0x6c: {  	_ =	shalt  }
0x6d: {  	_ =	shalt  }
0x6e: {  	_ =	shalt  }
0x6f: {  	_ =	shalt  }
0x70: {  	_ =	shalt  }
0x71: {  	_ =	shalt  }
0x72: {  	_ =	shalt  }
0x73: {  	_ =	shalt  }
0x74: {  	_ =	shalt  }
0x75: {  	_ =	shalt  }
0x76: {  	_ =	shalt  }
0x77: {  	_ =	shalt  }
0x78: {  	_ =	shalt  }
0x79: {  	_ =	shalt  }
0x7a: {  	_ =	shalt  }
0x7b: {  	_ =	shalt  }
0x7c: {  	_ =	shalt  }
0x7d: {  	_ =	shalt  }
0x7e: {  	_ =	shalt  }
0x7f: {  	_ =	shalt  }
0x80: {  	_ =	shalt  }
0x81: {  	_ =	shalt  }
0x82: {  	_ =	shalt  }
0x83: {  	_ =	shalt  }
0x84: {  	_ =	shalt  }
0x85: {  	_ =	shalt  }
0x86: {  	_ =	shalt  }
0x87: {  	_ =	shalt  }
.Lfunc_end0:
.L_simem_size_0:
called_computation_lowered:
.L_overlay_start_0:
0x88: {  	s2 =	sld [smem:$0x3FD9]  }
0x89: {  	s3 =	sld [smem:$0x3FFE];
	_ =	sdelay $0x1  }
0x8a: {  	s1 =	srdreg.scid  }
0x8b: {  	s0 =	sand.u32 $0x1, s1  }
0x8c: {  	s14 =	sshll.u32 s0, $0xA;
	s2 =	sadd.s32 s3, s2  }
0x8d: {  	s2 =	sadd.s32 s2, s14  }
0x8e: {  	[smem:$0x3FC3] =	sst s2  }
0x8f: {  	_ = 	snop  }
0x90: {  	s2 =	sld [smem:$0x3FD0];
	_ =	sdelay $0x2  }
0x91: {  	s15 =	simm.s32 $0xA;
	s4 =	simm.s32 $0x10  }
0x92: {  	[smem:s4], [sflag:s15] =	dma.local [hbm:s2], $0x1  }
0x93: {  	_ =	swait.eq [sflag:s15], $0x1  }
0x94: {  	[sflag:s15] =	ssyncset.done $0x0  }
0x95: {  	s16 =	sld [smem:$0x10];
	[sflag:s15] =	ssyncadd.s32 $0xFFFFFFFF  }
0x96: {  	s17 =	sld [smem:$0x11];
	(tm) =	ssettm $0x1  }
0x97: {  	s18 =	sld [smem:$0x3FFB];
	_ =	sdelay $0x3  }
0x98: {  	_ =	strace s18  }
0x99: {  	s4 =	sld [smem:$0x3FFC];
	_ =	sdelay $0x3  }
0x9a: {  	_ =	strace s4  }
0x9b: {  	s4 =	sld [smem:$0x3FFD];
	_ =	sdelay $0x3  }
0x9c: {  	_ =	strace s4  }
0x9d: {  	_ =	strace $0x8FFFFFFF  }
0x9e: {  	s19 =	sld [smem:$0x3FDB];
	_ =	sdelay $0x1  }
0x9f: {  	s5 =	simm.s32 $_scs_section_size  }
0xa0: {  	s6 =	simm.s32 $_size__tile_overlayer_lowered;
	s7 =	simm.s32 $_tile_overlayer_lowered  }
0xa1: {  	s22 =	simm.s32 $0x1BFF;
	s21 =	sshll.u32 s7, $0x1;
	s4 =	sadd.s32 s5, s19  }
0xa2: {  	s8 =	simm.s32 $0x0;
	s20 =	sshll.u32 s6, $0x1;
	s6 =	sadd.s32 s21, s4  }
0xa3: {  	[timem:s8], [sflag:s22] =	dma.local [hbm:s6], s20  }
0xa4: {  	_ =	swait.ge [sflag:s22], s20  }
0xa5: {  	s5 =	ssub.s32 $0x0, s20;
	[sflag:s22] =	ssyncset.done $0x0  }
0xa6: {  	[sflag:s22] =	ssyncadd.s32 s5;
	_ =	sdelay $0x1  }
0xa7: {  	s23 =	simm.s32 $0x1B8B  }
0xa8: {  	_ =	swait.ge [sflag:s23], $0x1  }
0xa9: {  	[sflag:s23] =	ssyncset.done $0x0  }
0xaa: {  	s25 =	simm.s32 $0x1B8E;
	s24 =	sld [smem:$0x3FFE];
	[sflag:s23] =	ssyncadd.s32 $0xFFFFFFFF  }
0xab: {  	s26 =	simm.s32 $execute0_lowered;
	[smem:$0x3FD2] =	sst s25  }
0xac: {  	s6 =	sshll.u32 s26, $0x1;
	_ =	strace $0x80000046;
	[dreg:$0x1] =	wrdreg $0xFFFFFFFF  }
0xad: {  	s28 =	simm.s32 $_size_execute0_lowered;
	s4 =	sadd.s32 s4, s6;
	[dreg:$0x0] =	wrdreg $0x0  }
0xae: {  	s6 =	sshll.u32 s28, $0x1;
	[dreg:$0x2] =	wrdreg s4  }
0xaf: {  	[dreg:$0x3] =	wrdreg s6  }
0xb0: {  	[dreg:$0x4] =	wrdreg $0xC0  }
0xb1: {  	_ =	task [dreg:s8], $0x5FFFF  }
0xb2: {  	[dreg:$0x1] =	wrdreg $0xFFFFFFFF  }
0xb3: {  	[dreg:$0x0] =	wrdreg $0x60  }
0xb4: {  	[dreg:$0x2] =	wrdreg s24  }
0xb5: {  	[dreg:$0x3] =	wrdreg s16  }
0xb6: {  	[dreg:$0x4] =	wrdreg s17  }
0xb7: {  	[dreg:$0x5] =	wrdreg $0x9  }
0xb8: {  	_ =	task.clear_ibuf [dreg:s8], $0x6FFFF;
	_ =	strace $0x90000046  }
0xb9: {  	s29 =	simm.s32 $0x9;
	_ =	strace $0x80000048  }
0xba: {  	_ =	swait.ge [sflag:s29], $0x1  }
0xbb: {  	[sflag:s29] =	ssyncadd.s32 $0xFFFFFFFF  }
0xbc: {  	_ =	strace $0x90000048  }
0xbd: {  	_ =	sfence  }
0xbe: {  	s30 =	sld [smem:$0x0];
	_ =	sdelay $0x2  }
0xbf: {  	s31 =	sshll.u32 s1, $0xD;
	s1 =	sshrl.u32 s1, $0x2  }
0xc0: {  	s3 =	sand.u32 $0x4000, s31;
	s1 =	sadd.s32 s1, s30  }
0xc1: {  	s0 =	sor.u32 s3, s0;
	s1 =	sshll.u32 s1, $0x11  }
0xc2: {  	s0 =	sor.u32 s1, s0  }
0xc3: {  	s0 =	sadd.s32 $0x8F2B, s0  }
0xc4: {  	[sflag:s0] =	ssyncadd.remote.s32 $0x1  }
0xc5: {  	_ =	sfence.sel $0xFFFF  }
0xc6: {  	[dreg:$0x0] =	wrdreg $0xFFFFFFFF;
	(pc) =	sbr.abs _section_cstart, $3  }
0xc7: {  	[dreg:$0x1] =	wrdreg $0xFFFFFFFF  }
0xc8: {  	_ =	task.clear_ibuf [dreg:s8], $0x2FFFF;
	_ =	strace $0x9FFFFFFF  }
0xc9: {  	(tm) =	ssettm $0x7FFFFFFF  }
tec
execute0_lowered:
.L_overlay_start_1:
0x0: {  	(tag) =	ssettag $0x1  }
0x1: {  	s0 =	rddreg [dreg:$0x0]  }
0x2: {  	s1 =	rddreg [dreg:$0x1]  }
0x3: {  	s2 =	rddreg [dreg:$0x2];
	s4 =	srdreg.scid  }
0x4: {  	s3 =	simm.s32 $0x0;
	s5 =	stileid.u32;
	s28 =	simm.s32 $0x1800  }
0x5: {  	s30 =	simm.s32 $0x5800;
	s29 =	simm.s32 $0x5;
	s4 =	sand.u32 $0x1, s4  }
0x6: {  	s31 =	simm.s32 $0x6;
	s5 =	sshll.u32 s5, $0xC;
	s6 =	sshll.u32 s4, $0xB  }
0x7: {  	[smem:$0x7FF] =	sst s3;
	s4 =	ssub.s32 $0x2, s4;
	s5 =	sor.u32 s6, s5  }
0x8: {  	_ =	strace $0x80000047;
	s7 =	sshrl.u32 s4, $0x1;
	s6 =	sshrl.u32 s5, $0x3  }
0x9: {  	s5 =	sshll.u32 s5, $0x4;
	s4 =	ssub.s32 s4, s7;
	s7 =	simm.s32 $0x8  }
0xa: {  	s8 =	sadd.s32 s6, s0;
	s0 =	sadd.s32 s5, s0;
	s1 =	sadd.s32 s1, s6  }
0xb: {  	s22 =	smax.u32 s4, $0x1;
	s4 =	simm.s32 $0x3;
	s5 =	simm.s32 $0x7  }
0xc: {  	s6 =	simm.s32 $0x4;
	s20 =	sadd.s32 $0x800, s8;
	[dreg:$0x5] =	wrdreg s1  }
0xd: {  	s21 =	sadd.s32 $0x2800, s0;
	[dreg:$0x7] =	wrdreg s22;
	s23 =	sadd.s32 $0x8800, s0  }
0xe: {  	s24 =	sadd.s32 $0x9000, s0;
	s25 =	sadd.s32 $0x9800, s0;
	s26 =	sadd.s32 $0xA000, s0  }
0xf: {  	s12 =	sadd.s32 $0x3000, s0;
	s13 =	sadd.s32 $0x3800, s0;
	[dreg:$0x4] =	wrdreg s20  }
0x10: {  	s14 =	sadd.s32 $0x4000, s0;
	s15 =	sadd.s32 $0x4800, s0;
	[dreg:$0x6] =	wrdreg s21  }
0x11: {  	s16 =	sadd.s32 $0x5000, s0;
	s17 =	sadd.s32 $0x5800, s0;
	[dreg:$0x8] =	wrdreg s23  }
0x12: {  	s18 =	sadd.s32 $0x6000, s0;
	s19 =	sadd.s32 $0x6800, s0;
	[dreg:$0x9] =	wrdreg s24  }
0x13: {  	s22 =	sadd.s32 $0x8000, s0;
	s1 =	simm.s32 $0x2;
	[dreg:$0xa] =	wrdreg s25  }
0x14: {  	s8 =	simm.s32 $0x0;
	[dreg:$0xb] =	wrdreg s26;
	s20 =	sadd.s32 $0x7000, s0  }
0x15: {  	s21 =	sadd.s32 $0x7800, s0;
	s23 =	simm.s32 $0x9;
	s25 =	simm.s32 $0x80  }
0x16: {  	s0 =	simm.s32 $0x9800;
	s24 =	simm.s32 $0xD800;
	s26 =	simm.s32 $0x1  }
.LBB2_1:
0x17: {  	s9 =	rddreg [dreg:$0x4]  }
0x18: {  	[tilespmem:s3], [sflag:$0x9] =	stream.linear.gather [hbm4b:s9+s3], $0x800, $0x38;
	[tilespmem:$0x11800] =	vst v63  }
0x19: {  	_ =	swait.ge [sflag:s23], $0x800  }
0x1a: {  	[sflag:s23] =	ssyncset.done $0x0  }
0x1b: {  	s10 =	simm.s32 $0x800;
	s11 =	rddreg [dreg:$0x5];
	[sflag:s23] =	ssyncadd.s32 $0xFFFFF800  }
0x1c: {  	[tilespmem:s10], [sflag:$0x9] =	stream.linear.gather [hbm4b:s11+s3], $0x800, $0x38;
	[tilespmem:$0x11800] =	vst v63  }
0x1d: {  	_ =	swait.ge [sflag:s23], $0x800  }
0x1e: {  	[sflag:s23] =	ssyncset.done $0x0  }
0x1f: {  	s9 =	simm.s32 $0x0;
	[sflag:s23] =	ssyncadd.s32 $0xFFFFF800  }
0x20: {  	v0 =	vld [tilespmem:s9+$0x70]  }
0x21: {  	v1 =	vld [tilespmem:s9+$0x870]  }
0x22: {  	v2 =	vld [tilespmem:s9+$0x0]  }
0x23: {  	v3 =	vld [tilespmem:s9+$0x10]  }
0x24: {  	v4 =	vld [tilespmem:s9+$0x20]  }
0x25: {  	v6 =	vld [tilespmem:s9+$0x30]  }
0x26: {  	v9 =	vld [tilespmem:s9+$0x40]  }
0x27: {  	v8 =	vld [tilespmem:s9+$0x800]  }
0x28: {  	v10 =	vld [tilespmem:s9+$0x810];
	v0 =	vshll.u32 v0, $0x5  }
0x29: {  	v0 =	vadd.s32 v1, v0;
	v1 =	vld [tilespmem:s9+$0x50]  }
0x2a: {  	[tilespmem:s9+$0x1070] =	vst v0;
	v0 =	vld [tilespmem:s9+$0x60]  }
0x2b: {  	v7 =	vld [tilespmem:s9+$0x820]  }
0x2c: {  	v5 =	vld [tilespmem:s9+$0x830]  }
0x2d: {  	v11 =	vshll.u32 v2, $0x5;
	v2 =	vld [tilespmem:s9+$0x840];
	v12 =	vshll.u32 v3, $0x5;
	v6 =	vshll.u32 v6, $0x5  }
0x2e: {  	v3 =	vld [tilespmem:s9+$0x850];
	v11 =	vadd.s32 v8, v11;
	v8 =	vshll.u32 v4, $0x5;
	v4 =	vshll.u32 v9, $0x5  }
0x2f: {  	s10 =	simm.s32 $0x80;
	s11 =	simm.s32 $0x400;
	v10 =	vadd.s32 v10, v12;
	v9 =	vld [tilespmem:s9+$0x860];
	[tilespmem:s9+$0x1000] =	vst v11;
	v1 =	vshll.u32 v1, $0x5;
	v0 =	vshll.u32 v0, $0x5  }
.LBB2_2:
0x30: {  	p0 =	sne.s32 s11, $0x1E00;
	v11 =	vld [tilespmem:s10+$0x70];
	[tilespmem:s9+$0x1010] =	vst v10;
	v7 =	vadd.s32 v7, v8  }
0x31: {  	v8 =	vld [tilespmem:s10+$0x870];
	[tilespmem:s9+$0x1020] =	vst v7;
	v5 =	vadd.s32 v5, v6  }
0x32: {  	v6 =	vld [tilespmem:s10+$0x0];
	[tilespmem:s9+$0x1030] =	vst v5;
	v2 =	vadd.s32 v2, v4  }
0x33: {  	v4 =	vld [tilespmem:s10+$0x10];
	[tilespmem:s9+$0x1040] =	vst v2;
	v1 =	vadd.s32 v3, v1  }
0x34: {  	v2 =	vld [tilespmem:s10+$0x20];
	[tilespmem:s9+$0x1050] =	vst v1;
	v0 =	vadd.s32 v9, v0  }
0x35: {  	v1 =	vld [tilespmem:s10+$0x30];
	v3 =	vshll.u32 v11, $0x5;
	[tilespmem:s9+$0x1060] =	vst v0;
	s9 =	smov.u32 s10  }
0x36: {  	v0 =	vld [tilespmem:s9+$0x40];
	v3 =	vadd.s32 v8, v3  }
0x37: {  	v9 =	vshll.u32 v6, $0x5;
	v10 =	vld [tilespmem:s9+$0x50];
	[tilespmem:s9+$0x1070] =	vst v3  }
0x38: {  	v11 =	vshll.u32 v4, $0x5;
	v3 =	vld [tilespmem:s9+$0x60]  }
0x39: {  	v12 =	vld [tilespmem:s9+$0x800];
	v8 =	vshll.u32 v2, $0x5  }
0x3a: {  	v13 =	vld [tilespmem:s9+$0x810];
	v6 =	vshll.u32 v1, $0x5  }
.Ltmp0:
0x3b: {  	v7 =	vld [tilespmem:s9+$0x820];
	v4 =	vshll.u32 v0, $0x5;
	(pc) =	sbr.rel @p0 .LBB2_2-.Ltmp0, $4  }
0x3c: {  	v5 =	vld [tilespmem:s9+$0x830];
	v1 =	vshll.u32 v10, $0x5  }
0x3d: {  	v2 =	vld [tilespmem:s9+$0x840];
	v0 =	vshll.u32 v3, $0x5  }
0x3e: {  	v9 =	vadd.s32 v12, v9;
	v3 =	vld [tilespmem:s9+$0x850]  }
0x3f: {  	s10 =	sshra.s32 s11, $0x2;
	s11 =	sadd.s32 $0x200, s11;
	[tilespmem:s9+$0x1000] =	vst v9;
	v10 =	vadd.s32 v13, v11;
	v9 =	vld [tilespmem:s9+$0x860]  }
0x40: {  	v11 =	vld [tilespmem:s10+$0x70];
	[tilespmem:s9+$0x1010] =	vst v10;
	v7 =	vadd.s32 v7, v8  }
0x41: {  	v50 =	vld [tilespmem:s10+$0x870];
	[tilespmem:s9+$0x1020] =	vst v7;
	v5 =	vadd.s32 v5, v6  }
0x42: {  	v51 =	vld [tilespmem:s10+$0x0];
	[tilespmem:s9+$0x1030] =	vst v5;
	v2 =	vadd.s32 v2, v4  }
0x43: {  	v52 =	vld [tilespmem:s10+$0x10];
	[tilespmem:s9+$0x1040] =	vst v2;
	v1 =	vadd.s32 v3, v1  }
0x44: {  	v2 =	vld [tilespmem:s10+$0x20];
	[tilespmem:s9+$0x1050] =	vst v1;
	v0 =	vadd.s32 v9, v0  }
0x45: {  	v1 =	vld [tilespmem:s10+$0x30];
	[tilespmem:s9+$0x1060] =	vst v0  }
0x46: {  	v54 =	vld [tilespmem:s10+$0x40]  }
0x47: {  	v5 =	vld [tilespmem:s10+$0x50]  }
0x48: {  	v55 =	vld [tilespmem:s10+$0x60]  }
0x49: {  	v7 =	vld [tilespmem:s10+$0x800]  }
0x4a: {  	v56 =	vld [tilespmem:s10+$0x810]  }
0x4b: {  	v57 =	vld [tilespmem:s10+$0x820]  }
0x4c: {  	v53 =	vshll.u32 v11, $0x5;
	v10 =	vld [tilespmem:s10+$0x830]  }
0x4d: {  	v0 =	vadd.s32 v50, v53;
	v58 =	vld [tilespmem:s10+$0x840];
	v6 =	vshll.u32 v51, $0x5  }
0x4e: {  	v59 =	vld [tilespmem:s10+$0x850];
	[tilespmem:s10+$0x1070] =	vst v0;
	v4 =	vshll.u32 v52, $0x5;
	v6 =	vadd.s32 v7, v6  }
0x4f: {  	v60 =	vld [tilespmem:s10+$0x860];
	v2 =	vshll.u32 v2, $0x5;
	v4 =	vadd.s32 v56, v4;
	[tilespmem:s10+$0x1000] =	vst v6  }
0x50: {  	v1 =	vshll.u32 v1, $0x5;
	v2 =	vadd.s32 v57, v2;
	[tilespmem:s10+$0x1010] =	vst v4  }
0x51: {  	v3 =	vshll.u32 v54, $0x5;
	v1 =	vadd.s32 v10, v1;
	[tilespmem:s10+$0x1020] =	vst v2  }
0x52: {  	v61 =	vshll.u32 v5, $0x5;
	[tilespmem:s10+$0x1030] =	vst v1;
	v62 =	vadd.s32 v58, v3  }
0x53: {  	v0 =	vshll.u32 v55, $0x5;
	v63 =	vadd.s32 v59, v61;
	[tilespmem:s10+$0x1040] =	vst v62  }
0x54: {  	v0 =	vadd.s32 v60, v0;
	[tilespmem:s10+$0x1050] =	vst v63  }
0x55: {  	[tilespmem:s10+$0x1060] =	vst v0;
	s10 =	simm.s32 $0x1000  }
0x56: {  	[tilespmem:s28], [sflag:$0x1] =	stream.indirect.gather [hbm4b:s2+s25], $0x80, s10, s25, $0xb8;
	[tilespmem:$0x11800] =	vst v63  }
0x57: {  	s11 =	simm.s32 $0x1080  }
0x58: {  	[tilespmem:s30], [sflag:$0x2] =	stream.indirect.gather [hbm4b:s2+s25], $0x80, s11, s25, $0xb8;
	[tilespmem:$0x11800] =	vst v63  }
0x59: {  	s10 =	simm.s32 $0x1100  }
0x5a: {  	[tilespmem:s0], [sflag:$0x3] =	stream.indirect.gather [hbm4b:s2+s25], $0x80, s10, s25, $0xb8;
	[tilespmem:$0x11800] =	vst v63  }
0x5b: {  	s11 =	simm.s32 $0x1180  }
0x5c: {  	[tilespmem:s24], [sflag:$0x4] =	stream.indirect.gather [hbm4b:s2+s25], $0x80, s11, s25, $0xb8;
	[tilespmem:$0x11800] =	vst v63  }
0x5d: {  	_ =	swait.ge [sflag:s26], $0x4000  }
0x5e: {  	[sflag:s26] =	ssyncset.done $0x0  }
0x5f: {  	s10 =	rddreg [dreg:$0x6];
	[sflag:s26] =	ssyncadd.s32 $0xFFFFC000  }
0x60: {  	[hbm4b:s10+s3] =	stream.linear.scatter [tilespmem:s28], [sflag:$0x5], $0x4000, $0x38;
	[tilespmem:$0x11800] =	vst v63  }
0x61: {  	_ =	swait.ge [sflag:s29], $0x4000  }
0x62: {  	[sflag:s29] =	ssyncset.done $0x0  }
0x63: {  	s11 =	simm.s32 $0x1200;
	[sflag:s29] =	ssyncadd.s32 $0xFFFFC000  }
0x64: {  	[tilespmem:s28], [sflag:$0x1] =	stream.indirect.gather [hbm4b:s2+s25], $0x80, s11, s25, $0xb8;
	[tilespmem:$0x11800] =	vst v63  }
0x65: {  	_ =	swait.ge [sflag:s1], $0x4000  }
0x66: {  	[sflag:s1] =	ssyncset.done $0x0  }
0x67: {  	[sflag:s1] =	ssyncadd.s32 $0xFFFFC000  }
0x68: {  	[hbm4b:s12+s3] =	stream.linear.scatter [tilespmem:s30], [sflag:$0x6], $0x4000, $0x38;
	[tilespmem:$0x11800] =	vst v63  }
0x69: {  	_ =	swait.ge [sflag:s31], $0x4000  }
0x6a: {  	[sflag:s31] =	ssyncset.done $0x0  }
0x6b: {  	s10 =	simm.s32 $0x1280;
	[sflag:s31] =	ssyncadd.s32 $0xFFFFC000  }
0x6c: {  	[tilespmem:s30], [sflag:$0x2] =	stream.indirect.gather [hbm4b:s2+s25], $0x80, s10, s25, $0xb8;
	[tilespmem:$0x11800] =	vst v63  }
0x6d: {  	_ =	swait.ge [sflag:s4], $0x4000  }
0x6e: {  	[sflag:s4] =	ssyncset.done $0x0  }
0x6f: {  	[sflag:s4] =	ssyncadd.s32 $0xFFFFC000  }
0x70: {  	[hbm4b:s13+s3] =	stream.linear.scatter [tilespmem:s0], [sflag:$0x7], $0x4000, $0x38;
	[tilespmem:$0x11800] =	vst v63  }
0x71: {  	_ =	swait.ge [sflag:s5], $0x4000  }
0x72: {  	[sflag:s5] =	ssyncset.done $0x0  }
0x73: {  	s11 =	simm.s32 $0x1300;
	[sflag:s5] =	ssyncadd.s32 $0xFFFFC000  }
0x74: {  	[tilespmem:s0], [sflag:$0x3] =	stream.indirect.gather [hbm4b:s2+s25], $0x80, s11, s25, $0xb8;
	[tilespmem:$0x11800] =	vst v63  }
0x75: {  	_ =	swait.ge [sflag:s6], $0x4000  }
0x76: {  	[sflag:s6] =	ssyncset.done $0x0  }
0x77: {  	[sflag:s6] =	ssyncadd.s32 $0xFFFFC000  }
0x78: {  	[hbm4b:s14+s3] =	stream.linear.scatter [tilespmem:s24], [sflag:$0x8], $0x4000, $0x38;
	[tilespmem:$0x11800] =	vst v63  }
0x79: {  	_ =	swait.ge [sflag:s7], $0x4000  }
0x7a: {  	[sflag:s7] =	ssyncset.done $0x0  }
0x7b: {  	s10 =	simm.s32 $0x1380;
	[sflag:s7] =	ssyncadd.s32 $0xFFFFC000  }
0x7c: {  	[tilespmem:s24], [sflag:$0x4] =	stream.indirect.gather [hbm4b:s2+s25], $0x80, s10, s25, $0xb8;
	[tilespmem:$0x11800] =	vst v63  }
0x7d: {  	_ =	swait.ge [sflag:s26], $0x4000  }
0x7e: {  	[sflag:s26] =	ssyncset.done $0x0  }
0x7f: {  	[sflag:s26] =	ssyncadd.s32 $0xFFFFC000  }
0x80: {  	[hbm4b:s15+s3] =	stream.linear.scatter [tilespmem:s28], [sflag:$0x5], $0x4000, $0x38;
	[tilespmem:$0x11800] =	vst v63  }
0x81: {  	_ =	swait.ge [sflag:s29], $0x4000  }
0x82: {  	[sflag:s29] =	ssyncset.done $0x0  }
0x83: {  	s11 =	simm.s32 $0x1400;
	[sflag:s29] =	ssyncadd.s32 $0xFFFFC000  }
0x84: {  	[tilespmem:s28], [sflag:$0x1] =	stream.indirect.gather [hbm4b:s2+s25], $0x80, s11, s25, $0xb8;
	[tilespmem:$0x11800] =	vst v63  }
0x85: {  	_ =	swait.ge [sflag:s1], $0x4000  }
0x86: {  	[sflag:s1] =	ssyncset.done $0x0  }
0x87: {  	[sflag:s1] =	ssyncadd.s32 $0xFFFFC000  }
0x88: {  	[hbm4b:s16+s3] =	stream.linear.scatter [tilespmem:s30], [sflag:$0x6], $0x4000, $0x38;
	[tilespmem:$0x11800] =	vst v63  }
0x89: {  	_ =	swait.ge [sflag:s31], $0x4000  }
0x8a: {  	[sflag:s31] =	ssyncset.done $0x0  }
0x8b: {  	s10 =	simm.s32 $0x1480;
	[sflag:s31] =	ssyncadd.s32 $0xFFFFC000  }
0x8c: {  	[tilespmem:s30], [sflag:$0x2] =	stream.indirect.gather [hbm4b:s2+s25], $0x80, s10, s25, $0xb8;
	[tilespmem:$0x11800] =	vst v63  }
0x8d: {  	_ =	swait.ge [sflag:s4], $0x4000  }
0x8e: {  	[sflag:s4] =	ssyncset.done $0x0  }
0x8f: {  	[sflag:s4] =	ssyncadd.s32 $0xFFFFC000  }
0x90: {  	[hbm4b:s17+s3] =	stream.linear.scatter [tilespmem:s0], [sflag:$0x7], $0x4000, $0x38;
	[tilespmem:$0x11800] =	vst v63  }
0x91: {  	_ =	swait.ge [sflag:s5], $0x4000  }
0x92: {  	[sflag:s5] =	ssyncset.done $0x0  }
0x93: {  	s11 =	simm.s32 $0x1500;
	[sflag:s5] =	ssyncadd.s32 $0xFFFFC000  }
0x94: {  	[tilespmem:s0], [sflag:$0x3] =	stream.indirect.gather [hbm4b:s2+s25], $0x80, s11, s25, $0xb8;
	[tilespmem:$0x11800] =	vst v63  }
0x95: {  	_ =	swait.ge [sflag:s6], $0x4000  }
0x96: {  	[sflag:s6] =	ssyncset.done $0x0  }
0x97: {  	[sflag:s6] =	ssyncadd.s32 $0xFFFFC000  }
0x98: {  	[hbm4b:s18+s3] =	stream.linear.scatter [tilespmem:s24], [sflag:$0x8], $0x4000, $0x38;
	[tilespmem:$0x11800] =	vst v63  }
0x99: {  	_ =	swait.ge [sflag:s7], $0x4000  }
0x9a: {  	[sflag:s7] =	ssyncset.done $0x0  }
0x9b: {  	s10 =	simm.s32 $0x1580;
	[sflag:s7] =	ssyncadd.s32 $0xFFFFC000  }
0x9c: {  	[tilespmem:s24], [sflag:$0x4] =	stream.indirect.gather [hbm4b:s2+s25], $0x80, s10, s25, $0xb8;
	[tilespmem:$0x11800] =	vst v63  }
0x9d: {  	_ =	swait.ge [sflag:s26], $0x4000  }
0x9e: {  	[sflag:s26] =	ssyncset.done $0x0  }
0x9f: {  	[sflag:s26] =	ssyncadd.s32 $0xFFFFC000  }
0xa0: {  	[hbm4b:s19+s3] =	stream.linear.scatter [tilespmem:s28], [sflag:$0x5], $0x4000, $0x38;
	[tilespmem:$0x11800] =	vst v63  }
0xa1: {  	_ =	swait.ge [sflag:s29], $0x4000  }
0xa2: {  	[sflag:s29] =	ssyncset.done $0x0  }
0xa3: {  	s11 =	simm.s32 $0x1600;
	[sflag:s29] =	ssyncadd.s32 $0xFFFFC000  }
0xa4: {  	[tilespmem:s28], [sflag:$0x1] =	stream.indirect.gather [hbm4b:s2+s25], $0x80, s11, s25, $0xb8;
	[tilespmem:$0x11800] =	vst v63  }
0xa5: {  	_ =	swait.ge [sflag:s1], $0x4000  }
0xa6: {  	[sflag:s1] =	ssyncset.done $0x0  }
0xa7: {  	[sflag:s1] =	ssyncadd.s32 $0xFFFFC000  }
0xa8: {  	[hbm4b:s20+s3] =	stream.linear.scatter [tilespmem:s30], [sflag:$0x6], $0x4000, $0x38;
	[tilespmem:$0x11800] =	vst v63  }
0xa9: {  	_ =	swait.ge [sflag:s31], $0x4000  }
0xaa: {  	[sflag:s31] =	ssyncset.done $0x0  }
0xab: {  	s10 =	simm.s32 $0x1680;
	[sflag:s31] =	ssyncadd.s32 $0xFFFFC000  }
0xac: {  	[tilespmem:s30], [sflag:$0x2] =	stream.indirect.gather [hbm4b:s2+s25], $0x80, s10, s25, $0xb8;
	[tilespmem:$0x11800] =	vst v63  }
0xad: {  	_ =	swait.ge [sflag:s4], $0x4000  }
0xae: {  	[sflag:s4] =	ssyncset.done $0x0  }
0xaf: {  	[sflag:s4] =	ssyncadd.s32 $0xFFFFC000  }
0xb0: {  	[hbm4b:s21+s3] =	stream.linear.scatter [tilespmem:s0], [sflag:$0x7], $0x4000, $0x38;
	[tilespmem:$0x11800] =	vst v63  }
0xb1: {  	_ =	swait.ge [sflag:s5], $0x4000  }
0xb2: {  	[sflag:s5] =	ssyncset.done $0x0  }
0xb3: {  	s11 =	simm.s32 $0x1700;
	[sflag:s5] =	ssyncadd.s32 $0xFFFFC000  }
0xb4: {  	[tilespmem:s0], [sflag:$0x3] =	stream.indirect.gather [hbm4b:s2+s25], $0x80, s11, s25, $0xb8;
	[tilespmem:$0x11800] =	vst v63  }
0xb5: {  	_ =	swait.ge [sflag:s6], $0x4000  }
0xb6: {  	[sflag:s6] =	ssyncset.done $0x0  }
0xb7: {  	[sflag:s6] =	ssyncadd.s32 $0xFFFFC000  }
0xb8: {  	[hbm4b:s22+s3] =	stream.linear.scatter [tilespmem:s24], [sflag:$0x8], $0x4000, $0x38;
	[tilespmem:$0x11800] =	vst v63  }
0xb9: {  	_ =	swait.ge [sflag:s7], $0x4000  }
0xba: {  	[sflag:s7] =	ssyncset.done $0x0  }
0xbb: {  	s10 =	simm.s32 $0x1780;
	[sflag:s7] =	ssyncadd.s32 $0xFFFFC000  }
0xbc: {  	[tilespmem:s24], [sflag:$0x4] =	stream.indirect.gather [hbm4b:s2+s25], $0x80, s10, s25, $0xb8;
	[tilespmem:$0x11800] =	vst v63  }
0xbd: {  	_ =	swait.ge [sflag:s26], $0x4000  }
0xbe: {  	[sflag:s26] =	ssyncset.done $0x0  }
0xbf: {  	s11 =	rddreg [dreg:$0x8];
	[sflag:s26] =	ssyncadd.s32 $0xFFFFC000  }
0xc0: {  	[hbm4b:s11+s3] =	stream.linear.scatter [tilespmem:s28], [sflag:$0x5], $0x4000, $0x38;
	[tilespmem:$0x11800] =	vst v63  }
0xc1: {  	_ =	swait.ge [sflag:s1], $0x4000  }
0xc2: {  	[sflag:s1] =	ssyncset.done $0x0  }
0xc3: {  	s10 =	rddreg [dreg:$0x9];
	[sflag:s1] =	ssyncadd.s32 $0xFFFFC000  }
0xc4: {  	[hbm4b:s10+s3] =	stream.linear.scatter [tilespmem:s30], [sflag:$0x6], $0x4000, $0x38;
	[tilespmem:$0x11800] =	vst v63  }
0xc5: {  	_ =	swait.ge [sflag:s4], $0x4000  }
0xc6: {  	[sflag:s4] =	ssyncset.done $0x0  }
0xc7: {  	s11 =	rddreg [dreg:$0xa];
	[sflag:s4] =	ssyncadd.s32 $0xFFFFC000  }
0xc8: {  	[hbm4b:s11+s3] =	stream.linear.scatter [tilespmem:s0], [sflag:$0x7], $0x4000, $0x38;
	[tilespmem:$0x11800] =	vst v63  }
0xc9: {  	_ =	swait.ge [sflag:s6], $0x4000  }
0xca: {  	[sflag:s6] =	ssyncset.done $0x0  }
0xcb: {  	s10 =	rddreg [dreg:$0xb];
	[sflag:s6] =	ssyncadd.s32 $0xFFFFC000  }
0xcc: {  	[hbm4b:s10+s3] =	stream.linear.scatter [tilespmem:s24], [sflag:$0x8], $0x4000, $0x38;
	[tilespmem:$0x11800] =	vst v63  }
0xcd: {  	_ =	swait.ge [sflag:s29], $0x4000  }
0xce: {  	[sflag:s29] =	ssyncset.done $0x0  }
0xcf: {  	[sflag:s29] =	ssyncadd.s32 $0xFFFFC000  }
0xd0: {  	_ =	swait.ge [sflag:s31], $0x4000  }
0xd1: {  	[sflag:s31] =	ssyncset.done $0x0  }
0xd2: {  	[sflag:s31] =	ssyncadd.s32 $0xFFFFC000  }
0xd3: {  	_ =	swait.ge [sflag:s5], $0x4000  }
0xd4: {  	[sflag:s5] =	ssyncset.done $0x0  }
0xd5: {  	[sflag:s5] =	ssyncadd.s32 $0xFFFFC000  }
0xd6: {  	_ =	swait.ge [sflag:s7], $0x4000  }
0xd7: {  	s8 =	sadd.s32 $0x1, s8;
	s11 =	rddreg [dreg:$0x7]  }
0xd8: {  	p0 =	sne.s32 s8, s11  }
.Ltmp1:
0xd9: {  	_ = 	snop;
	(pc) =	sbr.rel @p0 .LBB2_1-.Ltmp1, $3  }
0xda: {  	_ =	sdelay $0x1  }
0xdb: {  	[sflag:s7] =	ssyncset.done $0x0  }
0xdc: {  	[sflag:s7] =	ssyncadd.s32 $0xFFFFC000  }
0xdd: {  	_ =	sfence.sel $0x180000  }
0xde: {  	[bflag:$0x0] =	sbarrier.arrive $0xFFFF  }
0xdf: {  	_ =	strace $0x90000047  }
0xe0: {  	s0 =	stileid.u32;
	[bflag:$0x2] =	sbarrier.arrive $0xFFFF  }
0xe1: {  	p0 =	sne.s32 s0, $0x0;
	s0 =	rddreg [dreg:$0x3]  }
0xe2: {  	s0 =	sadd.s32 @!p0 $0x100000, s0  }
0xe3: {  	[sflag:s0] =	ssyncadd.tile.s32 @!p0 $0x1;
	_ =	shalt  }
.Lfunc_end2:
_tile_overlayer_lowered:
.L_overlay_start_2:
0xe4: {  	(tag) =	ssettag $0x2  }
0xe5: {  	s0 =	rddreg [dreg:$0x0];
	s2 =	stileid.u32  }
0xe6: {  	s1 =	rddreg [dreg:$0x1];
	p0 =	sne.s32 s2, $0x0  }
0xe7: {  	s3 =	rddreg [dreg:$0x2];
	[bflag:$0x3] =	sbarrier.arrive $0xFFFF;
	s2 =	simm.s32 @!p0 $0x1C09  }
0xe8: {  	[timem:s3], [sflag:s2] =	dma.local @!p0 [hbm:s0], s1  }
0xe9: {  	s0 =	simm.s32 @!p0 $0x9  }
0xea: {  	_ =	swait.ge @!p0 [sflag:s0], s1  }
0xeb: {  	s1 =	ssub.s32 @!p0 $0x0, s1;
	[sflag:s0] =	ssyncset.done @!p0 $0x0  }
0xec: {  	[sflag:s0] =	ssyncadd.s32 @!p0 s1  }
0xed: {  	[bflag:$0x3] =	sbarrier.arrive $0xFFFF  }
0xee: {  	_ =	shalt  }

</sc_bundles>
